<compile_context>
chip_gen: v7x
topology: tpu7x:2x2x1
jax: 0.10.2.dev20260603
libtpu: 0.0.44.dev20260713+nightly
codegen_flags: <defaults>
</compile_context>

<pallas_src>
import dataclasses
import functools

import jax
import jax.numpy as jnp
from jax import lax
from jax.experimental import pallas as pl
from jax.experimental.pallas import tpu as pltpu
from jax.experimental.pallas import tpu_sc as plsc

V = 100000
D = 300
L = 50
B = 16384

NC = 2
NS = 16
NW = NC * NS
CB = B // NW
LANES = 16


_BV = 8192
_NBLK = -(-V // _BV)
_VPAD = _NBLK * _BV
_VCOPY = 100352


def _tc_project_body(tt_ref, w_ref, b_ref, o_ref):
    y = jax.lax.dot_general(
        w_ref[...], tt_ref[...],
        (((1,), (0,)), ((), ())),
        preferred_element_type=jnp.float32,
        precision=jax.lax.Precision.DEFAULT,
    )
    o_ref[0, :, :] = (y + b_ref[...]) * (1.0 / L)


def _tc_project(table_t, w_row, b2d):
    out3d = pl.pallas_call(
        _tc_project_body,
        grid=(_NBLK,),
        in_specs=[
            pl.BlockSpec((D, _BV), lambda i: (0, i)),
            pl.BlockSpec((1, D), lambda i: (0, 0)),
            pl.BlockSpec((1, 1), lambda i: (0, 0)),
        ],
        out_specs=pl.BlockSpec((1, 1, _BV), lambda i: (i, 0, 0)),
        out_shape=jax.ShapeDtypeStruct((_NBLK, 1, _BV), jnp.float32),
        compiler_params=pltpu.CompilerParams(
            dimension_semantics=("parallel",),
        ),
    )(table_t, w_row, b2d)
    return out3d.reshape(_VPAD)


_SC_MESH = plsc.VectorSubcoreMesh(core_axis_name="c", subcore_axis_name="s")

_SC_PARAMS = pltpu.CompilerParams()
if "needs_layout_passes" in pltpu.CompilerParams.__dataclass_fields__:
    _SC_PARAMS = dataclasses.replace(_SC_PARAMS, needs_layout_passes=False)


@functools.partial(
    pl.kernel,
    out_type=jax.ShapeDtypeStruct((B,), jnp.float32),
    mesh=_SC_MESH,
    scratch_types=[
        pltpu.VMEM((_VCOPY,), jnp.float32),
        pltpu.VMEM((L, CB // 2), jnp.int32),
        pltpu.VMEM((CB,), jnp.float32),
        pltpu.VMEM_SHARED((_VCOPY,), jnp.float32),
        pltpu.SemaphoreType.DMA,
        pltpu.SemaphoreType.DMA,
    ],
    compiler_params=_SC_PARAMS,
)
def _sc_gather_mean(t_hbm, text_hbm, out_hbm,
                    t_v, idx_v, acc_v, t_sh, sem_t, sem_i):
    sid = lax.axis_index("s")
    wid = sid * NC + lax.axis_index("c")
    base = wid * CB
    ch = CB // 2
    tchunk = _VCOPY // NS
    cp_t = pltpu.async_copy(
        t_hbm.at[pl.ds(sid * tchunk, tchunk)],
        t_sh.at[pl.ds(sid * tchunk, tchunk)],
        sem_t,
    )
    cp_i = pltpu.async_copy(
        text_hbm.at[:, pl.ds(base, ch)], idx_v, sem_i)
    cp_t.wait()
    plsc.subcore_barrier()
    pltpu.sync_copy(t_sh, t_v)

    for h in range(2):
        cp_i.wait()

        @pl.loop(0, ch, step=LANES)
        def _(c):
            accs = [None, None, None, None]
            for l in range(L):
                vals = plsc.load_gather(t_v, [idx_v[l, pl.ds(c, LANES)]])
                k = l % 4
                accs[k] = vals if accs[k] is None else accs[k] + vals
            acc_v[pl.ds(h * ch + c, LANES)] = (
                (accs[0] + accs[1]) + (accs[2] + accs[3]))

        if h == 0:
            cp_i = pltpu.async_copy(
                text_hbm.at[:, pl.ds(base + ch, ch)], idx_v, sem_i)

    pltpu.sync_copy(acc_v, out_hbm.at[pl.ds(base, CB)])


def kernel(text, table, w_lin, b_lin):
    text_i = text.astype(jnp.int32)
    w_row = w_lin.astype(jnp.float32).reshape(1, D)
    b2d = b_lin.astype(jnp.float32).reshape(1, 1)
    t = _tc_project(table.T, w_row, b2d)
    out = _sc_gather_mean(t, text_i)
    return out.reshape(B, 1)

# --- scband reference (transcript-rebuilt; emitter-appended) ---
"""Pipeline reference for scband-cbow-455266533603 (READ-ONLY COPY).

The authoritative reference and input builder live on the scoring server;
editing this copy changes nothing except your own understanding.
"""

import jax, jax.numpy as jnp
import numpy as np

V = 100000
D = 300
L = 50
B = 16384

def setup_inputs(seed: int = 0) -> dict:
    key = jax.random.key(seed)
    k1, k2, k3 = jax.random.split(key, 3)
    text = jax.random.randint(k1, (L, B), 0, V, dtype=jnp.int64 if jax.config.jax_enable_x64 else jnp.int32)
    table = jax.random.normal(k2, (V, D), dtype=jnp.float32) * 0.02
    w_lin = jax.random.normal(k3, (D, 1), dtype=jnp.float32) * 0.05
    b_lin = jnp.zeros((1,), dtype=jnp.float32)
    return {"text": text, "table": table, "w_lin": w_lin, "b_lin": b_lin}

def reference(text, table, w_lin, b_lin):
    # embeds = self.embed(text)  -> gather rows from embedding table
    embeds = jnp.take(table, text, axis=0)          # [L, B, D]
    # embeds.mean(0)  -> mean over context (first) dimension
    pooled = jnp.mean(embeds, axis=0)               # [B, D]
    # self.w(...)  -> single Linear layer (dim fixed to D to match embedding width)
    out = pooled @ w_lin + b_lin                    # [B, 1]
    return out

if __name__ == "__main__":
    import jax
    _d = setup_inputs()
    print(jax.jit(kernel)(*tuple(_d.values())))

</pallas_src>

<mosaic_0001>
#map = affine_map<(d0, d1) -> (0)>
#map1 = affine_map<(d0, d1) -> (0, 0)>
module attributes {stable_mosaic.version = 14 : i64} {
  func.func @_sc_gather_mean(%arg0: i32, %arg1: i32, %arg2: memref<106496xf32, #tpu.memory_space<hbm>>, %arg3: memref<50x16384xi32, #tpu.memory_space<hbm>>, %arg4: memref<16384xf32, #tpu.memory_space<hbm>>, %arg5: memref<100352xf32, #tpu.memory_space<vmem>>, %arg6: memref<50x256xi32, #tpu.memory_space<vmem>>, %arg7: memref<512xf32, #tpu.memory_space<vmem>>, %arg8: memref<100352xf32, #tpu.memory_space<vmem_shared>>, %arg9: memref<!tpu.dma_semaphore, #tpu.memory_space<semaphore_mem>>, %arg10: memref<!tpu.dma_semaphore, #tpu.memory_space<semaphore_mem>>) attributes {dimension_semantics = [#tpu.dimension_semantics<core_parallel>, #tpu.dimension_semantics<subcore_parallel>], iteration_bounds = array<i64: 2, 16>, scalar_prefetch = 0 : i64, scratch_operands = 6 : i64, tpu.core_type = #tpu.core_type<sc_vector_subcore>, window_params = [{transform_indices = #map}, {transform_indices = #map1}, {transform_indices = #map}]} {
    %mul3A = arith.constant 2 : i32
    %mul3A_0 = arith.muli %arg1, %mul3A : i32
    %add3A = arith.addi %mul3A_0, %arg0 : i32
    %mul3A_1 = arith.constant 512 : i32
    %mul3A_2 = arith.muli %add3A, %mul3A_1 : i32
    %mul3A_3 = arith.constant 6272 : i32
    %mul3A_4 = arith.muli %arg1, %mul3A_3 : i32
    %mul3A_5 = arith.constant 6272 : i32
    %mul3A_6 = arith.muli %arg1, %mul3A_5 : i32
    %dma_start3A = tpu.memref_slice %arg8[%mul3A_6] : memref<100352xf32, #tpu.memory_space<vmem_shared>> -> memref<6272xf32, #tpu.memory_space<vmem_shared>>
    %dma_start3A_7 = tpu.memref_slice %arg2[%mul3A_4] : memref<106496xf32, #tpu.memory_space<hbm>> -> memref<6272xf32, #tpu.memory_space<hbm>>
    tpu.enqueue_dma source(%dma_start3A_7 : memref<6272xf32, #tpu.memory_space<hbm>>) target(%dma_start3A : memref<6272xf32, #tpu.memory_space<vmem_shared>>) target_semaphore(%arg9 : memref<!tpu.dma_semaphore, #tpu.memory_space<semaphore_mem>>)
    %dma_start3A_8 = arith.constant 0 : i32
    %dma_start3A_9 = tpu.memref_slice %arg3[%dma_start3A_8, %mul3A_2] : memref<50x16384xi32, #tpu.memory_space<hbm>> -> memref<50x256xi32, #tpu.memory_space<hbm>>
    %dma_start3A_10 = arith.constant 0 : i32
    %dma_start3A_11 = tpu.memref_slice %arg3[%dma_start3A_10, %mul3A_2] : memref<50x16384xi32, #tpu.memory_space<hbm>> -> memref<50x256xi32, #tpu.memory_space<hbm>>
    tpu.enqueue_dma source(%dma_start3A_11 : memref<50x256xi32, #tpu.memory_space<hbm>>) target(%arg6 : memref<50x256xi32, #tpu.memory_space<vmem>>) target_semaphore(%arg10 : memref<!tpu.dma_semaphore, #tpu.memory_space<semaphore_mem>>)
    %dma_wait3A = tpu.memref_slice %arg8[%mul3A_6] : memref<100352xf32, #tpu.memory_space<vmem_shared>> -> memref<6272xf32, #tpu.memory_space<vmem_shared>>
    %dma_wait3A_12 = tpu.memref_slice %arg2[%mul3A_4] : memref<106496xf32, #tpu.memory_space<hbm>> -> memref<6272xf32, #tpu.memory_space<hbm>>
    tpu.wait_dma2 semaphore(%arg9 : memref<!tpu.dma_semaphore, #tpu.memory_space<semaphore_mem>>) src(%dma_wait3A_12 : memref<6272xf32, #tpu.memory_space<hbm>>) dst(%dma_wait3A : memref<6272xf32, #tpu.memory_space<vmem_shared>>)
    %barrier3A = arith.constant 0 : index
    tpu.barrier barrier_id(%barrier3A)
    "tpu.region"() ({
      %run_scoped3A = tpu.sem_alloc : memref<!tpu.dma_semaphore, #tpu.memory_space<semaphore_mem>>
      tpu.enqueue_dma source(%arg8 : memref<100352xf32, #tpu.memory_space<vmem_shared>>) target(%arg5 : memref<100352xf32, #tpu.memory_space<vmem>>) target_semaphore(%run_scoped3A : memref<!tpu.dma_semaphore, #tpu.memory_space<semaphore_mem>>)
      tpu.wait_dma2 semaphore(%run_scoped3A : memref<!tpu.dma_semaphore, #tpu.memory_space<semaphore_mem>>) src(%arg8 : memref<100352xf32, #tpu.memory_space<vmem_shared>>) dst(%arg5 : memref<100352xf32, #tpu.memory_space<vmem>>)
      tpu.yield
    }) : () -> ()
    %dma_wait3A_13 = arith.constant 0 : i32
    %dma_wait3A_14 = tpu.memref_slice %arg3[%dma_wait3A_13, %mul3A_2] : memref<50x16384xi32, #tpu.memory_space<hbm>> -> memref<50x256xi32, #tpu.memory_space<hbm>>
    %dma_wait3A_15 = arith.constant 0 : i32
    %dma_wait3A_16 = tpu.memref_slice %arg3[%dma_wait3A_15, %mul3A_2] : memref<50x16384xi32, #tpu.memory_space<hbm>> -> memref<50x256xi32, #tpu.memory_space<hbm>>
    tpu.wait_dma2 semaphore(%arg10 : memref<!tpu.dma_semaphore, #tpu.memory_space<semaphore_mem>>) src(%dma_wait3A_16 : memref<50x256xi32, #tpu.memory_space<hbm>>) dst(%arg6 : memref<50x256xi32, #tpu.memory_space<vmem>>)
    %scan3A = arith.constant 0 : i32
    %scan3A_17 = arith.constant 16 : i32
    %scan3A_18 = arith.addi %scan3A, %scan3A_17 : i32
    %scan3A_19 = arith.constant 1 : i32
    scf.for %scan3A_36 = %scan3A to %scan3A_18 step %scan3A_19  : i32 {
      %mul3A_37 = arith.constant 16 : i32
      %mul3A_38 = arith.muli %scan3A_36, %mul3A_37 : i32
      %add3A_39 = arith.constant 0 : i32
      %add3A_40 = arith.addi %add3A_39, %mul3A_38 : i32
      %get3A = arith.constant 0 : i32
      %get3A_41 = arith.index_cast %get3A : i32 to index
      %get3A_42 = arith.index_cast %add3A_40 : i32 to index
      %get3A_43 = tpu.vector_load %arg6[%get3A_41, %get3A_42] {strides = array<i32>} : memref<50x256xi32, #tpu.memory_space<vmem>>, vector<16xi32>,
      %gather3A = tpu.vector_load_idx %arg5[%get3A_43] : memref<100352xf32, #tpu.memory_space<vmem>>[vector<16xi32>], vector<16xf32>,
      %get3A_44 = arith.constant 1 : i32
      %get3A_45 = arith.index_cast %get3A_44 : i32 to index
      %get3A_46 = arith.index_cast %add3A_40 : i32 to index
      %get3A_47 = tpu.vector_load %arg6[%get3A_45, %get3A_46] {strides = array<i32>} : memref<50x256xi32, #tpu.memory_space<vmem>>, vector<16xi32>,
      %gather3A_48 = tpu.vector_load_idx %arg5[%get3A_47] : memref<100352xf32, #tpu.memory_space<vmem>>[vector<16xi32>], vector<16xf32>,
      %get3A_49 = arith.constant 2 : i32
      %get3A_50 = arith.index_cast %get3A_49 : i32 to index
      %get3A_51 = arith.index_cast %add3A_40 : i32 to index
      %get3A_52 = tpu.vector_load %arg6[%get3A_50, %get3A_51] {strides = array<i32>} : memref<50x256xi32, #tpu.memory_space<vmem>>, vector<16xi32>,
      %gather3A_53 = tpu.vector_load_idx %arg5[%get3A_52] : memref<100352xf32, #tpu.memory_space<vmem>>[vector<16xi32>], vector<16xf32>,
      %get3A_54 = arith.constant 3 : i32
      %get3A_55 = arith.index_cast %get3A_54 : i32 to index
      %get3A_56 = arith.index_cast %add3A_40 : i32 to index
      %get3A_57 = tpu.vector_load %arg6[%get3A_55, %get3A_56] {strides = array<i32>} : memref<50x256xi32, #tpu.memory_space<vmem>>, vector<16xi32>,
      %gather3A_58 = tpu.vector_load_idx %arg5[%get3A_57] : memref<100352xf32, #tpu.memory_space<vmem>>[vector<16xi32>], vector<16xf32>,
      %get3A_59 = arith.constant 4 : i32
      %get3A_60 = arith.index_cast %get3A_59 : i32 to index
      %get3A_61 = arith.index_cast %add3A_40 : i32 to index
      %get3A_62 = tpu.vector_load %arg6[%get3A_60, %get3A_61] {strides = array<i32>} : memref<50x256xi32, #tpu.memory_space<vmem>>, vector<16xi32>,
      %gather3A_63 = tpu.vector_load_idx %arg5[%get3A_62] : memref<100352xf32, #tpu.memory_space<vmem>>[vector<16xi32>], vector<16xf32>,
      %add3A_64 = arith.addf %gather3A, %gather3A_63 : vector<16xf32>
      %get3A_65 = arith.constant 5 : i32
      %get3A_66 = arith.index_cast %get3A_65 : i32 to index
      %get3A_67 = arith.index_cast %add3A_40 : i32 to index
      %get3A_68 = tpu.vector_load %arg6[%get3A_66, %get3A_67] {strides = array<i32>} : memref<50x256xi32, #tpu.memory_space<vmem>>, vector<16xi32>,
      %gather3A_69 = tpu.vector_load_idx %arg5[%get3A_68] : memref<100352xf32, #tpu.memory_space<vmem>>[vector<16xi32>], vector<16xf32>,
      %add3A_70 = arith.addf %gather3A_48, %gather3A_69 : vector<16xf32>
      %get3A_71 = arith.constant 6 : i32
      %get3A_72 = arith.index_cast %get3A_71 : i32 to index
      %get3A_73 = arith.index_cast %add3A_40 : i32 to index
      %get3A_74 = tpu.vector_load %arg6[%get3A_72, %get3A_73] {strides = array<i32>} : memref<50x256xi32, #tpu.memory_space<vmem>>, vector<16xi32>,
      %gather3A_75 = tpu.vector_load_idx %arg5[%get3A_74] : memref<100352xf32, #tpu.memory_space<vmem>>[vector<16xi32>], vector<16xf32>,
      %add3A_76 = arith.addf %gather3A_53, %gather3A_75 : vector<16xf32>
      %get3A_77 = arith.constant 7 : i32
      %get3A_78 = arith.index_cast %get3A_77 : i32 to index
      %get3A_79 = arith.index_cast %add3A_40 : i32 to index
      %get3A_80 = tpu.vector_load %arg6[%get3A_78, %get3A_79] {strides = array<i32>} : memref<50x256xi32, #tpu.memory_space<vmem>>, vector<16xi32>,
      %gather3A_81 = tpu.vector_load_idx %arg5[%get3A_80] : memref<100352xf32, #tpu.memory_space<vmem>>[vector<16xi32>], vector<16xf32>,
      %add3A_82 = arith.addf %gather3A_58, %gather3A_81 : vector<16xf32>
      %get3A_83 = arith.constant 8 : i32
      %get3A_84 = arith.index_cast %get3A_83 : i32 to index
      %get3A_85 = arith.index_cast %add3A_40 : i32 to index
      %get3A_86 = tpu.vector_load %arg6[%get3A_84, %get3A_85] {strides = array<i32>} : memref<50x256xi32, #tpu.memory_space<vmem>>, vector<16xi32>,
      %gather3A_87 = tpu.vector_load_idx %arg5[%get3A_86] : memref<100352xf32, #tpu.memory_space<vmem>>[vector<16xi32>], vector<16xf32>,
      %add3A_88 = arith.addf %add3A_64, %gather3A_87 : vector<16xf32>
      %get3A_89 = arith.constant 9 : i32
      %get3A_90 = arith.index_cast %get3A_89 : i32 to index
      %get3A_91 = arith.index_cast %add3A_40 : i32 to index
      %get3A_92 = tpu.vector_load %arg6[%get3A_90, %get3A_91] {strides = array<i32>} : memref<50x256xi32, #tpu.memory_space<vmem>>, vector<16xi32>,
      %gather3A_93 = tpu.vector_load_idx %arg5[%get3A_92] : memref<100352xf32, #tpu.memory_space<vmem>>[vector<16xi32>], vector<16xf32>,
      %add3A_94 = arith.addf %add3A_70, %gather3A_93 : vector<16xf32>
      %get3A_95 = arith.constant 10 : i32
      %get3A_96 = arith.index_cast %get3A_95 : i32 to index
      %get3A_97 = arith.index_cast %add3A_40 : i32 to index
      %get3A_98 = tpu.vector_load %arg6[%get3A_96, %get3A_97] {strides = array<i32>} : memref<50x256xi32, #tpu.memory_space<vmem>>, vector<16xi32>,
      %gather3A_99 = tpu.vector_load_idx %arg5[%get3A_98] : memref<100352xf32, #tpu.memory_space<vmem>>[vector<16xi32>], vector<16xf32>,
      %add3A_100 = arith.addf %add3A_76, %gather3A_99 : vector<16xf32>
      %get3A_101 = arith.constant 11 : i32
      %get3A_102 = arith.index_cast %get3A_101 : i32 to index
      %get3A_103 = arith.index_cast %add3A_40 : i32 to index
      %get3A_104 = tpu.vector_load %arg6[%get3A_102, %get3A_103] {strides = array<i32>} : memref<50x256xi32, #tpu.memory_space<vmem>>, vector<16xi32>,
      %gather3A_105 = tpu.vector_load_idx %arg5[%get3A_104] : memref<100352xf32, #tpu.memory_space<vmem>>[vector<16xi32>], vector<16xf32>,
      %add3A_106 = arith.addf %add3A_82, %gather3A_105 : vector<16xf32>
      %get3A_107 = arith.constant 12 : i32
      %get3A_108 = arith.index_cast %get3A_107 : i32 to index
      %get3A_109 = arith.index_cast %add3A_40 : i32 to index
      %get3A_110 = tpu.vector_load %arg6[%get3A_108, %get3A_109] {strides = array<i32>} : memref<50x256xi32, #tpu.memory_space<vmem>>, vector<16xi32>,
      %gather3A_111 = tpu.vector_load_idx %arg5[%get3A_110] : memref<100352xf32, #tpu.memory_space<vmem>>[vector<16xi32>], vector<16xf32>,
      %add3A_112 = arith.addf %add3A_88, %gather3A_111 : vector<16xf32>
      %get3A_113 = arith.constant 13 : i32
      %get3A_114 = arith.index_cast %get3A_113 : i32 to index
      %get3A_115 = arith.index_cast %add3A_40 : i32 to index
      %get3A_116 = tpu.vector_load %arg6[%get3A_114, %get3A_115] {strides = array<i32>} : memref<50x256xi32, #tpu.memory_space<vmem>>, vector<16xi32>,
      %gather3A_117 = tpu.vector_load_idx %arg5[%get3A_116] : memref<100352xf32, #tpu.memory_space<vmem>>[vector<16xi32>], vector<16xf32>,
      %add3A_118 = arith.addf %add3A_94, %gather3A_117 : vector<16xf32>
      %get3A_119 = arith.constant 14 : i32
      %get3A_120 = arith.index_cast %get3A_119 : i32 to index
      %get3A_121 = arith.index_cast %add3A_40 : i32 to index
      %get3A_122 = tpu.vector_load %arg6[%get3A_120, %get3A_121] {strides = array<i32>} : memref<50x256xi32, #tpu.memory_space<vmem>>, vector<16xi32>,
      %gather3A_123 = tpu.vector_load_idx %arg5[%get3A_122] : memref<100352xf32, #tpu.memory_space<vmem>>[vector<16xi32>], vector<16xf32>,
      %add3A_124 = arith.addf %add3A_100, %gather3A_123 : vector<16xf32>
      %get3A_125 = arith.constant 15 : i32
      %get3A_126 = arith.index_cast %get3A_125 : i32 to index
      %get3A_127 = arith.index_cast %add3A_40 : i32 to index
      %get3A_128 = tpu.vector_load %arg6[%get3A_126, %get3A_127] {strides = array<i32>} : memref<50x256xi32, #tpu.memory_space<vmem>>, vector<16xi32>,
      %gather3A_129 = tpu.vector_load_idx %arg5[%get3A_128] : memref<100352xf32, #tpu.memory_space<vmem>>[vector<16xi32>], vector<16xf32>,
      %add3A_130 = arith.addf %add3A_106, %gather3A_129 : vector<16xf32>
      %get3A_131 = arith.constant 16 : i32
      %get3A_132 = arith.index_cast %get3A_131 : i32 to index
      %get3A_133 = arith.index_cast %add3A_40 : i32 to index
      %get3A_134 = tpu.vector_load %arg6[%get3A_132, %get3A_133] {strides = array<i32>} : memref<50x256xi32, #tpu.memory_space<vmem>>, vector<16xi32>,
      %gather3A_135 = tpu.vector_load_idx %arg5[%get3A_134] : memref<100352xf32, #tpu.memory_space<vmem>>[vector<16xi32>], vector<16xf32>,
      %add3A_136 = arith.addf %add3A_112, %gather3A_135 : vector<16xf32>
      %get3A_137 = arith.constant 17 : i32
      %get3A_138 = arith.index_cast %get3A_137 : i32 to index
      %get3A_139 = arith.index_cast %add3A_40 : i32 to index
      %get3A_140 = tpu.vector_load %arg6[%get3A_138, %get3A_139] {strides = array<i32>} : memref<50x256xi32, #tpu.memory_space<vmem>>, vector<16xi32>,
      %gather3A_141 = tpu.vector_load_idx %arg5[%get3A_140] : memref<100352xf32, #tpu.memory_space<vmem>>[vector<16xi32>], vector<16xf32>,
      %add3A_142 = arith.addf %add3A_118, %gather3A_141 : vector<16xf32>
      %get3A_143 = arith.constant 18 : i32
      %get3A_144 = arith.index_cast %get3A_143 : i32 to index
      %get3A_145 = arith.index_cast %add3A_40 : i32 to index
      %get3A_146 = tpu.vector_load %arg6[%get3A_144, %get3A_145] {strides = array<i32>} : memref<50x256xi32, #tpu.memory_space<vmem>>, vector<16xi32>,
      %gather3A_147 = tpu.vector_load_idx %arg5[%get3A_146] : memref<100352xf32, #tpu.memory_space<vmem>>[vector<16xi32>], vector<16xf32>,
      %add3A_148 = arith.addf %add3A_124, %gather3A_147 : vector<16xf32>
      %get3A_149 = arith.constant 19 : i32
      %get3A_150 = arith.index_cast %get3A_149 : i32 to index
      %get3A_151 = arith.index_cast %add3A_40 : i32 to index
      %get3A_152 = tpu.vector_load %arg6[%get3A_150, %get3A_151] {strides = array<i32>} : memref<50x256xi32, #tpu.memory_space<vmem>>, vector<16xi32>,
      %gather3A_153 = tpu.vector_load_idx %arg5[%get3A_152] : memref<100352xf32, #tpu.memory_space<vmem>>[vector<16xi32>], vector<16xf32>,
      %add3A_154 = arith.addf %add3A_130, %gather3A_153 : vector<16xf32>
      %get3A_155 = arith.constant 20 : i32
      %get3A_156 = arith.index_cast %get3A_155 : i32 to index
      %get3A_157 = arith.index_cast %add3A_40 : i32 to index
      %get3A_158 = tpu.vector_load %arg6[%get3A_156, %get3A_157] {strides = array<i32>} : memref<50x256xi32, #tpu.memory_space<vmem>>, vector<16xi32>,
      %gather3A_159 = tpu.vector_load_idx %arg5[%get3A_158] : memref<100352xf32, #tpu.memory_space<vmem>>[vector<16xi32>], vector<16xf32>,
      %add3A_160 = arith.addf %add3A_136, %gather3A_159 : vector<16xf32>
      %get3A_161 = arith.constant 21 : i32
      %get3A_162 = arith.index_cast %get3A_161 : i32 to index
      %get3A_163 = arith.index_cast %add3A_40 : i32 to index
      %get3A_164 = tpu.vector_load %arg6[%get3A_162, %get3A_163] {strides = array<i32>} : memref<50x256xi32, #tpu.memory_space<vmem>>, vector<16xi32>,
      %gather3A_165 = tpu.vector_load_idx %arg5[%get3A_164] : memref<100352xf32, #tpu.memory_space<vmem>>[vector<16xi32>], vector<16xf32>,
      %add3A_166 = arith.addf %add3A_142, %gather3A_165 : vector<16xf32>
      %get3A_167 = arith.constant 22 : i32
      %get3A_168 = arith.index_cast %get3A_167 : i32 to index
      %get3A_169 = arith.index_cast %add3A_40 : i32 to index
      %get3A_170 = tpu.vector_load %arg6[%get3A_168, %get3A_169] {strides = array<i32>} : memref<50x256xi32, #tpu.memory_space<vmem>>, vector<16xi32>,
      %gather3A_171 = tpu.vector_load_idx %arg5[%get3A_170] : memref<100352xf32, #tpu.memory_space<vmem>>[vector<16xi32>], vector<16xf32>,
      %add3A_172 = arith.addf %add3A_148, %gather3A_171 : vector<16xf32>
      %get3A_173 = arith.constant 23 : i32
      %get3A_174 = arith.index_cast %get3A_173 : i32 to index
      %get3A_175 = arith.index_cast %add3A_40 : i32 to index
      %get3A_176 = tpu.vector_load %arg6[%get3A_174, %get3A_175] {strides = array<i32>} : memref<50x256xi32, #tpu.memory_space<vmem>>, vector<16xi32>,
      %gather3A_177 = tpu.vector_load_idx %arg5[%get3A_176] : memref<100352xf32, #tpu.memory_space<vmem>>[vector<16xi32>], vector<16xf32>,
      %add3A_178 = arith.addf %add3A_154, %gather3A_177 : vector<16xf32>
      %get3A_179 = arith.constant 24 : i32
      %get3A_180 = arith.index_cast %get3A_179 : i32 to index
      %get3A_181 = arith.index_cast %add3A_40 : i32 to index
      %get3A_182 = tpu.vector_load %arg6[%get3A_180, %get3A_181] {strides = array<i32>} : memref<50x256xi32, #tpu.memory_space<vmem>>, vector<16xi32>,
      %gather3A_183 = tpu.vector_load_idx %arg5[%get3A_182] : memref<100352xf32, #tpu.memory_space<vmem>>[vector<16xi32>], vector<16xf32>,
      %add3A_184 = arith.addf %add3A_160, %gather3A_183 : vector<16xf32>
      %get3A_185 = arith.constant 25 : i32
      %get3A_186 = arith.index_cast %get3A_185 : i32 to index
      %get3A_187 = arith.index_cast %add3A_40 : i32 to index
      %get3A_188 = tpu.vector_load %arg6[%get3A_186, %get3A_187] {strides = array<i32>} : memref<50x256xi32, #tpu.memory_space<vmem>>, vector<16xi32>,
      %gather3A_189 = tpu.vector_load_idx %arg5[%get3A_188] : memref<100352xf32, #tpu.memory_space<vmem>>[vector<16xi32>], vector<16xf32>,
      %add3A_190 = arith.addf %add3A_166, %gather3A_189 : vector<16xf32>
      %get3A_191 = arith.constant 26 : i32
      %get3A_192 = arith.index_cast %get3A_191 : i32 to index
      %get3A_193 = arith.index_cast %add3A_40 : i32 to index
      %get3A_194 = tpu.vector_load %arg6[%get3A_192, %get3A_193] {strides = array<i32>} : memref<50x256xi32, #tpu.memory_space<vmem>>, vector<16xi32>,
      %gather3A_195 = tpu.vector_load_idx %arg5[%get3A_194] : memref<100352xf32, #tpu.memory_space<vmem>>[vector<16xi32>], vector<16xf32>,
      %add3A_196 = arith.addf %add3A_172, %gather3A_195 : vector<16xf32>
      %get3A_197 = arith.constant 27 : i32
      %get3A_198 = arith.index_cast %get3A_197 : i32 to index
      %get3A_199 = arith.index_cast %add3A_40 : i32 to index
      %get3A_200 = tpu.vector_load %arg6[%get3A_198, %get3A_199] {strides = array<i32>} : memref<50x256xi32, #tpu.memory_space<vmem>>, vector<16xi32>,
      %gather3A_201 = tpu.vector_load_idx %arg5[%get3A_200] : memref<100352xf32, #tpu.memory_space<vmem>>[vector<16xi32>], vector<16xf32>,
      %add3A_202 = arith.addf %add3A_178, %gather3A_201 : vector<16xf32>
      %get3A_203 = arith.constant 28 : i32
      %get3A_204 = arith.index_cast %get3A_203 : i32 to index
      %get3A_205 = arith.index_cast %add3A_40 : i32 to index
      %get3A_206 = tpu.vector_load %arg6[%get3A_204, %get3A_205] {strides = array<i32>} : memref<50x256xi32, #tpu.memory_space<vmem>>, vector<16xi32>,
      %gather3A_207 = tpu.vector_load_idx %arg5[%get3A_206] : memref<100352xf32, #tpu.memory_space<vmem>>[vector<16xi32>], vector<16xf32>,
      %add3A_208 = arith.addf %add3A_184, %gather3A_207 : vector<16xf32>
      %get3A_209 = arith.constant 29 : i32
      %get3A_210 = arith.index_cast %get3A_209 : i32 to index
      %get3A_211 = arith.index_cast %add3A_40 : i32 to index
      %get3A_212 = tpu.vector_load %arg6[%get3A_210, %get3A_211] {strides = array<i32>} : memref<50x256xi32, #tpu.memory_space<vmem>>, vector<16xi32>,
      %gather3A_213 = tpu.vector_load_idx %arg5[%get3A_212] : memref<100352xf32, #tpu.memory_space<vmem>>[vector<16xi32>], vector<16xf32>,
      %add3A_214 = arith.addf %add3A_190, %gather3A_213 : vector<16xf32>
      %get3A_215 = arith.constant 30 : i32
      %get3A_216 = arith.index_cast %get3A_215 : i32 to index
      %get3A_217 = arith.index_cast %add3A_40 : i32 to index
      %get3A_218 = tpu.vector_load %arg6[%get3A_216, %get3A_217] {strides = array<i32>} : memref<50x256xi32, #tpu.memory_space<vmem>>, vector<16xi32>,
      %gather3A_219 = tpu.vector_load_idx %arg5[%get3A_218] : memref<100352xf32, #tpu.memory_space<vmem>>[vector<16xi32>], vector<16xf32>,
      %add3A_220 = arith.addf %add3A_196, %gather3A_219 : vector<16xf32>
      %get3A_221 = arith.constant 31 : i32
      %get3A_222 = arith.index_cast %get3A_221 : i32 to index
      %get3A_223 = arith.index_cast %add3A_40 : i32 to index
      %get3A_224 = tpu.vector_load %arg6[%get3A_222, %get3A_223] {strides = array<i32>} : memref<50x256xi32, #tpu.memory_space<vmem>>, vector<16xi32>,
      %gather3A_225 = tpu.vector_load_idx %arg5[%get3A_224] : memref<100352xf32, #tpu.memory_space<vmem>>[vector<16xi32>], vector<16xf32>,
      %add3A_226 = arith.addf %add3A_202, %gather3A_225 : vector<16xf32>
      %get3A_227 = arith.constant 32 : i32
      %get3A_228 = arith.index_cast %get3A_227 : i32 to index
      %get3A_229 = arith.index_cast %add3A_40 : i32 to index
      %get3A_230 = tpu.vector_load %arg6[%get3A_228, %get3A_229] {strides = array<i32>} : memref<50x256xi32, #tpu.memory_space<vmem>>, vector<16xi32>,
      %gather3A_231 = tpu.vector_load_idx %arg5[%get3A_230] : memref<100352xf32, #tpu.memory_space<vmem>>[vector<16xi32>], vector<16xf32>,
      %add3A_232 = arith.addf %add3A_208, %gather3A_231 : vector<16xf32>
      %get3A_233 = arith.constant 33 : i32
      %get3A_234 = arith.index_cast %get3A_233 : i32 to index
      %get3A_235 = arith.index_cast %add3A_40 : i32 to index
      %get3A_236 = tpu.vector_load %arg6[%get3A_234, %get3A_235] {strides = array<i32>} : memref<50x256xi32, #tpu.memory_space<vmem>>, vector<16xi32>,
      %gather3A_237 = tpu.vector_load_idx %arg5[%get3A_236] : memref<100352xf32, #tpu.memory_space<vmem>>[vector<16xi32>], vector<16xf32>,
      %add3A_238 = arith.addf %add3A_214, %gather3A_237 : vector<16xf32>
      %get3A_239 = arith.constant 34 : i32
      %get3A_240 = arith.index_cast %get3A_239 : i32 to index
      %get3A_241 = arith.index_cast %add3A_40 : i32 to index
      %get3A_242 = tpu.vector_load %arg6[%get3A_240, %get3A_241] {strides = array<i32>} : memref<50x256xi32, #tpu.memory_space<vmem>>, vector<16xi32>,
      %gather3A_243 = tpu.vector_load_idx %arg5[%get3A_242] : memref<100352xf32, #tpu.memory_space<vmem>>[vector<16xi32>], vector<16xf32>,
      %add3A_244 = arith.addf %add3A_220, %gather3A_243 : vector<16xf32>
      %get3A_245 = arith.constant 35 : i32
      %get3A_246 = arith.index_cast %get3A_245 : i32 to index
      %get3A_247 = arith.index_cast %add3A_40 : i32 to index
      %get3A_248 = tpu.vector_load %arg6[%get3A_246, %get3A_247] {strides = array<i32>} : memref<50x256xi32, #tpu.memory_space<vmem>>, vector<16xi32>,
      %gather3A_249 = tpu.vector_load_idx %arg5[%get3A_248] : memref<100352xf32, #tpu.memory_space<vmem>>[vector<16xi32>], vector<16xf32>,
      %add3A_250 = arith.addf %add3A_226, %gather3A_249 : vector<16xf32>
      %get3A_251 = arith.constant 36 : i32
      %get3A_252 = arith.index_cast %get3A_251 : i32 to index
      %get3A_253 = arith.index_cast %add3A_40 : i32 to index
      %get3A_254 = tpu.vector_load %arg6[%get3A_252, %get3A_253] {strides = array<i32>} : memref<50x256xi32, #tpu.memory_space<vmem>>, vector<16xi32>,
      %gather3A_255 = tpu.vector_load_idx %arg5[%get3A_254] : memref<100352xf32, #tpu.memory_space<vmem>>[vector<16xi32>], vector<16xf32>,
      %add3A_256 = arith.addf %add3A_232, %gather3A_255 : vector<16xf32>
      %get3A_257 = arith.constant 37 : i32
      %get3A_258 = arith.index_cast %get3A_257 : i32 to index
      %get3A_259 = arith.index_cast %add3A_40 : i32 to index
      %get3A_260 = tpu.vector_load %arg6[%get3A_258, %get3A_259] {strides = array<i32>} : memref<50x256xi32, #tpu.memory_space<vmem>>, vector<16xi32>,
      %gather3A_261 = tpu.vector_load_idx %arg5[%get3A_260] : memref<100352xf32, #tpu.memory_space<vmem>>[vector<16xi32>], vector<16xf32>,
      %add3A_262 = arith.addf %add3A_238, %gather3A_261 : vector<16xf32>
      %get3A_263 = arith.constant 38 : i32
      %get3A_264 = arith.index_cast %get3A_263 : i32 to index
      %get3A_265 = arith.index_cast %add3A_40 : i32 to index
      %get3A_266 = tpu.vector_load %arg6[%get3A_264, %get3A_265] {strides = array<i32>} : memref<50x256xi32, #tpu.memory_space<vmem>>, vector<16xi32>,
      %gather3A_267 = tpu.vector_load_idx %arg5[%get3A_266] : memref<100352xf32, #tpu.memory_space<vmem>>[vector<16xi32>], vector<16xf32>,
      %add3A_268 = arith.addf %add3A_244, %gather3A_267 : vector<16xf32>
      %get3A_269 = arith.constant 39 : i32
      %get3A_270 = arith.index_cast %get3A_269 : i32 to index
      %get3A_271 = arith.index_cast %add3A_40 : i32 to index
      %get3A_272 = tpu.vector_load %arg6[%get3A_270, %get3A_271] {strides = array<i32>} : memref<50x256xi32, #tpu.memory_space<vmem>>, vector<16xi32>,
      %gather3A_273 = tpu.vector_load_idx %arg5[%get3A_272] : memref<100352xf32, #tpu.memory_space<vmem>>[vector<16xi32>], vector<16xf32>,
      %add3A_274 = arith.addf %add3A_250, %gather3A_273 : vector<16xf32>
      %get3A_275 = arith.constant 40 : i32
      %get3A_276 = arith.index_cast %get3A_275 : i32 to index
      %get3A_277 = arith.index_cast %add3A_40 : i32 to index
      %get3A_278 = tpu.vector_load %arg6[%get3A_276, %get3A_277] {strides = array<i32>} : memref<50x256xi32, #tpu.memory_space<vmem>>, vector<16xi32>,
      %gather3A_279 = tpu.vector_load_idx %arg5[%get3A_278] : memref<100352xf32, #tpu.memory_space<vmem>>[vector<16xi32>], vector<16xf32>,
      %add3A_280 = arith.addf %add3A_256, %gather3A_279 : vector<16xf32>
      %get3A_281 = arith.constant 41 : i32
      %get3A_282 = arith.index_cast %get3A_281 : i32 to index
      %get3A_283 = arith.index_cast %add3A_40 : i32 to index
      %get3A_284 = tpu.vector_load %arg6[%get3A_282, %get3A_283] {strides = array<i32>} : memref<50x256xi32, #tpu.memory_space<vmem>>, vector<16xi32>,
      %gather3A_285 = tpu.vector_load_idx %arg5[%get3A_284] : memref<100352xf32, #tpu.memory_space<vmem>>[vector<16xi32>], vector<16xf32>,
      %add3A_286 = arith.addf %add3A_262, %gather3A_285 : vector<16xf32>
      %get3A_287 = arith.constant 42 : i32
      %get3A_288 = arith.index_cast %get3A_287 : i32 to index
      %get3A_289 = arith.index_cast %add3A_40 : i32 to index
      %get3A_290 = tpu.vector_load %arg6[%get3A_288, %get3A_289] {strides = array<i32>} : memref<50x256xi32, #tpu.memory_space<vmem>>, vector<16xi32>,
      %gather3A_291 = tpu.vector_load_idx %arg5[%get3A_290] : memref<100352xf32, #tpu.memory_space<vmem>>[vector<16xi32>], vector<16xf32>,
      %add3A_292 = arith.addf %add3A_268, %gather3A_291 : vector<16xf32>
      %get3A_293 = arith.constant 43 : i32
      %get3A_294 = arith.index_cast %get3A_293 : i32 to index
      %get3A_295 = arith.index_cast %add3A_40 : i32 to index
      %get3A_296 = tpu.vector_load %arg6[%get3A_294, %get3A_295] {strides = array<i32>} : memref<50x256xi32, #tpu.memory_space<vmem>>, vector<16xi32>,
      %gather3A_297 = tpu.vector_load_idx %arg5[%get3A_296] : memref<100352xf32, #tpu.memory_space<vmem>>[vector<16xi32>], vector<16xf32>,
      %add3A_298 = arith.addf %add3A_274, %gather3A_297 : vector<16xf32>
      %get3A_299 = arith.constant 44 : i32
      %get3A_300 = arith.index_cast %get3A_299 : i32 to index
      %get3A_301 = arith.index_cast %add3A_40 : i32 to index
      %get3A_302 = tpu.vector_load %arg6[%get3A_300, %get3A_301] {strides = array<i32>} : memref<50x256xi32, #tpu.memory_space<vmem>>, vector<16xi32>,
      %gather3A_303 = tpu.vector_load_idx %arg5[%get3A_302] : memref<100352xf32, #tpu.memory_space<vmem>>[vector<16xi32>], vector<16xf32>,
      %add3A_304 = arith.addf %add3A_280, %gather3A_303 : vector<16xf32>
      %get3A_305 = arith.constant 45 : i32
      %get3A_306 = arith.index_cast %get3A_305 : i32 to index
      %get3A_307 = arith.index_cast %add3A_40 : i32 to index
      %get3A_308 = tpu.vector_load %arg6[%get3A_306, %get3A_307] {strides = array<i32>} : memref<50x256xi32, #tpu.memory_space<vmem>>, vector<16xi32>,
      %gather3A_309 = tpu.vector_load_idx %arg5[%get3A_308] : memref<100352xf32, #tpu.memory_space<vmem>>[vector<16xi32>], vector<16xf32>,
      %add3A_310 = arith.addf %add3A_286, %gather3A_309 : vector<16xf32>
      %get3A_311 = arith.constant 46 : i32
      %get3A_312 = arith.index_cast %get3A_311 : i32 to index
      %get3A_313 = arith.index_cast %add3A_40 : i32 to index
      %get3A_314 = tpu.vector_load %arg6[%get3A_312, %get3A_313] {strides = array<i32>} : memref<50x256xi32, #tpu.memory_space<vmem>>, vector<16xi32>,
      %gather3A_315 = tpu.vector_load_idx %arg5[%get3A_314] : memref<100352xf32, #tpu.memory_space<vmem>>[vector<16xi32>], vector<16xf32>,
      %add3A_316 = arith.addf %add3A_292, %gather3A_315 : vector<16xf32>
      %get3A_317 = arith.constant 47 : i32
      %get3A_318 = arith.index_cast %get3A_317 : i32 to index
      %get3A_319 = arith.index_cast %add3A_40 : i32 to index
      %get3A_320 = tpu.vector_load %arg6[%get3A_318, %get3A_319] {strides = array<i32>} : memref<50x256xi32, #tpu.memory_space<vmem>>, vector<16xi32>,
      %gather3A_321 = tpu.vector_load_idx %arg5[%get3A_320] : memref<100352xf32, #tpu.memory_space<vmem>>[vector<16xi32>], vector<16xf32>,
      %add3A_322 = arith.addf %add3A_298, %gather3A_321 : vector<16xf32>
      %get3A_323 = arith.constant 48 : i32
      %get3A_324 = arith.index_cast %get3A_323 : i32 to index
      %get3A_325 = arith.index_cast %add3A_40 : i32 to index
      %get3A_326 = tpu.vector_load %arg6[%get3A_324, %get3A_325] {strides = array<i32>} : memref<50x256xi32, #tpu.memory_space<vmem>>, vector<16xi32>,
      %gather3A_327 = tpu.vector_load_idx %arg5[%get3A_326] : memref<100352xf32, #tpu.memory_space<vmem>>[vector<16xi32>], vector<16xf32>,
      %add3A_328 = arith.addf %add3A_304, %gather3A_327 : vector<16xf32>
      %get3A_329 = arith.constant 49 : i32
      %get3A_330 = arith.index_cast %get3A_329 : i32 to index
      %get3A_331 = arith.index_cast %add3A_40 : i32 to index
      %get3A_332 = tpu.vector_load %arg6[%get3A_330, %get3A_331] {strides = array<i32>} : memref<50x256xi32, #tpu.memory_space<vmem>>, vector<16xi32>,
      %gather3A_333 = tpu.vector_load_idx %arg5[%get3A_332] : memref<100352xf32, #tpu.memory_space<vmem>>[vector<16xi32>], vector<16xf32>,
      %add3A_334 = arith.addf %add3A_310, %gather3A_333 : vector<16xf32>
      %add3A_335 = arith.addf %add3A_328, %add3A_334 : vector<16xf32>
      %add3A_336 = arith.addf %add3A_316, %add3A_322 : vector<16xf32>
      %add3A_337 = arith.addf %add3A_335, %add3A_336 : vector<16xf32>
      %add3A_338 = arith.constant 0 : i32
      %add3A_339 = arith.addi %add3A_338, %add3A_40 : i32
      %swap3A = arith.index_cast %add3A_339 : i32 to index
      %swap3A_340 = tpu.vector_load %arg7[%swap3A] {strides = array<i32>} : memref<512xf32, #tpu.memory_space<vmem>>, vector<16xf32>,
      tpu.vector_store %arg7[%swap3A], %add3A_337 {strides = array<i32>} : memref<512xf32, #tpu.memory_space<vmem>>, vector<16xf32>,
    }
    %scan3A_20 = arith.constant 16 : i32
    %add3A_21 = arith.constant 256 : i32
    %add3A_22 = arith.addi %mul3A_2, %add3A_21 : i32
    %dma_start3A_23 = arith.constant 0 : i32
    %dma_start3A_24 = tpu.memref_slice %arg3[%dma_start3A_23, %add3A_22] : memref<50x16384xi32, #tpu.memory_space<hbm>> -> memref<50x256xi32, #tpu.memory_space<hbm>>
    %dma_start3A_25 = arith.constant 0 : i32
    %dma_start3A_26 = tpu.memref_slice %arg3[%dma_start3A_25, %add3A_22] : memref<50x16384xi32, #tpu.memory_space<hbm>> -> memref<50x256xi32, #tpu.memory_space<hbm>>
    tpu.enqueue_dma source(%dma_start3A_26 : memref<50x256xi32, #tpu.memory_space<hbm>>) target(%arg6 : memref<50x256xi32, #tpu.memory_space<vmem>>) target_semaphore(%arg10 : memref<!tpu.dma_semaphore, #tpu.memory_space<semaphore_mem>>)
    %dma_wait3A_27 = arith.constant 0 : i32
    %dma_wait3A_28 = tpu.memref_slice %arg3[%dma_wait3A_27, %add3A_22] : memref<50x16384xi32, #tpu.memory_space<hbm>> -> memref<50x256xi32, #tpu.memory_space<hbm>>
    %dma_wait3A_29 = arith.constant 0 : i32
    %dma_wait3A_30 = tpu.memref_slice %arg3[%dma_wait3A_29, %add3A_22] : memref<50x16384xi32, #tpu.memory_space<hbm>> -> memref<50x256xi32, #tpu.memory_space<hbm>>
    tpu.wait_dma2 semaphore(%arg10 : memref<!tpu.dma_semaphore, #tpu.memory_space<semaphore_mem>>) src(%dma_wait3A_30 : memref<50x256xi32, #tpu.memory_space<hbm>>) dst(%arg6 : memref<50x256xi32, #tpu.memory_space<vmem>>)
    %scan3A_31 = arith.constant 0 : i32
    %scan3A_32 = arith.constant 16 : i32
    %scan3A_33 = arith.addi %scan3A_31, %scan3A_32 : i32
    %scan3A_34 = arith.constant 1 : i32
    scf.for %scan3A_36 = %scan3A_31 to %scan3A_33 step %scan3A_34  : i32 {
      %mul3A_37 = arith.constant 16 : i32
      %mul3A_38 = arith.muli %scan3A_36, %mul3A_37 : i32
      %add3A_39 = arith.constant 0 : i32
      %add3A_40 = arith.addi %add3A_39, %mul3A_38 : i32
      %get3A = arith.constant 0 : i32
      %get3A_41 = arith.index_cast %get3A : i32 to index
      %get3A_42 = arith.index_cast %add3A_40 : i32 to index
      %get3A_43 = tpu.vector_load %arg6[%get3A_41, %get3A_42] {strides = array<i32>} : memref<50x256xi32, #tpu.memory_space<vmem>>, vector<16xi32>,
      %gather3A = tpu.vector_load_idx %arg5[%get3A_43] : memref<100352xf32, #tpu.memory_space<vmem>>[vector<16xi32>], vector<16xf32>,
      %get3A_44 = arith.constant 1 : i32
      %get3A_45 = arith.index_cast %get3A_44 : i32 to index
      %get3A_46 = arith.index_cast %add3A_40 : i32 to index
      %get3A_47 = tpu.vector_load %arg6[%get3A_45, %get3A_46] {strides = array<i32>} : memref<50x256xi32, #tpu.memory_space<vmem>>, vector<16xi32>,
      %gather3A_48 = tpu.vector_load_idx %arg5[%get3A_47] : memref<100352xf32, #tpu.memory_space<vmem>>[vector<16xi32>], vector<16xf32>,
      %get3A_49 = arith.constant 2 : i32
      %get3A_50 = arith.index_cast %get3A_49 : i32 to index
      %get3A_51 = arith.index_cast %add3A_40 : i32 to index
      %get3A_52 = tpu.vector_load %arg6[%get3A_50, %get3A_51] {strides = array<i32>} : memref<50x256xi32, #tpu.memory_space<vmem>>, vector<16xi32>,
      %gather3A_53 = tpu.vector_load_idx %arg5[%get3A_52] : memref<100352xf32, #tpu.memory_space<vmem>>[vector<16xi32>], vector<16xf32>,
      %get3A_54 = arith.constant 3 : i32
      %get3A_55 = arith.index_cast %get3A_54 : i32 to index
      %get3A_56 = arith.index_cast %add3A_40 : i32 to index
      %get3A_57 = tpu.vector_load %arg6[%get3A_55, %get3A_56] {strides = array<i32>} : memref<50x256xi32, #tpu.memory_space<vmem>>, vector<16xi32>,
      %gather3A_58 = tpu.vector_load_idx %arg5[%get3A_57] : memref<100352xf32, #tpu.memory_space<vmem>>[vector<16xi32>], vector<16xf32>,
      %get3A_59 = arith.constant 4 : i32
      %get3A_60 = arith.index_cast %get3A_59 : i32 to index
      %get3A_61 = arith.index_cast %add3A_40 : i32 to index
      %get3A_62 = tpu.vector_load %arg6[%get3A_60, %get3A_61] {strides = array<i32>} : memref<50x256xi32, #tpu.memory_space<vmem>>, vector<16xi32>,
      %gather3A_63 = tpu.vector_load_idx %arg5[%get3A_62] : memref<100352xf32, #tpu.memory_space<vmem>>[vector<16xi32>], vector<16xf32>,
      %add3A_64 = arith.addf %gather3A, %gather3A_63 : vector<16xf32>
      %get3A_65 = arith.constant 5 : i32
      %get3A_66 = arith.index_cast %get3A_65 : i32 to index
      %get3A_67 = arith.index_cast %add3A_40 : i32 to index
      %get3A_68 = tpu.vector_load %arg6[%get3A_66, %get3A_67] {strides = array<i32>} : memref<50x256xi32, #tpu.memory_space<vmem>>, vector<16xi32>,
      %gather3A_69 = tpu.vector_load_idx %arg5[%get3A_68] : memref<100352xf32, #tpu.memory_space<vmem>>[vector<16xi32>], vector<16xf32>,
      %add3A_70 = arith.addf %gather3A_48, %gather3A_69 : vector<16xf32>
      %get3A_71 = arith.constant 6 : i32
      %get3A_72 = arith.index_cast %get3A_71 : i32 to index
      %get3A_73 = arith.index_cast %add3A_40 : i32 to index
      %get3A_74 = tpu.vector_load %arg6[%get3A_72, %get3A_73] {strides = array<i32>} : memref<50x256xi32, #tpu.memory_space<vmem>>, vector<16xi32>,
      %gather3A_75 = tpu.vector_load_idx %arg5[%get3A_74] : memref<100352xf32, #tpu.memory_space<vmem>>[vector<16xi32>], vector<16xf32>,
      %add3A_76 = arith.addf %gather3A_53, %gather3A_75 : vector<16xf32>
      %get3A_77 = arith.constant 7 : i32
      %get3A_78 = arith.index_cast %get3A_77 : i32 to index
      %get3A_79 = arith.index_cast %add3A_40 : i32 to index
      %get3A_80 = tpu.vector_load %arg6[%get3A_78, %get3A_79] {strides = array<i32>} : memref<50x256xi32, #tpu.memory_space<vmem>>, vector<16xi32>,
      %gather3A_81 = tpu.vector_load_idx %arg5[%get3A_80] : memref<100352xf32, #tpu.memory_space<vmem>>[vector<16xi32>], vector<16xf32>,
      %add3A_82 = arith.addf %gather3A_58, %gather3A_81 : vector<16xf32>
      %get3A_83 = arith.constant 8 : i32
      %get3A_84 = arith.index_cast %get3A_83 : i32 to index
      %get3A_85 = arith.index_cast %add3A_40 : i32 to index
      %get3A_86 = tpu.vector_load %arg6[%get3A_84, %get3A_85] {strides = array<i32>} : memref<50x256xi32, #tpu.memory_space<vmem>>, vector<16xi32>,
      %gather3A_87 = tpu.vector_load_idx %arg5[%get3A_86] : memref<100352xf32, #tpu.memory_space<vmem>>[vector<16xi32>], vector<16xf32>,
      %add3A_88 = arith.addf %add3A_64, %gather3A_87 : vector<16xf32>
      %get3A_89 = arith.constant 9 : i32
      %get3A_90 = arith.index_cast %get3A_89 : i32 to index
      %get3A_91 = arith.index_cast %add3A_40 : i32 to index
      %get3A_92 = tpu.vector_load %arg6[%get3A_90, %get3A_91] {strides = array<i32>} : memref<50x256xi32, #tpu.memory_space<vmem>>, vector<16xi32>,
      %gather3A_93 = tpu.vector_load_idx %arg5[%get3A_92] : memref<100352xf32, #tpu.memory_space<vmem>>[vector<16xi32>], vector<16xf32>,
      %add3A_94 = arith.addf %add3A_70, %gather3A_93 : vector<16xf32>
      %get3A_95 = arith.constant 10 : i32
      %get3A_96 = arith.index_cast %get3A_95 : i32 to index
      %get3A_97 = arith.index_cast %add3A_40 : i32 to index
      %get3A_98 = tpu.vector_load %arg6[%get3A_96, %get3A_97] {strides = array<i32>} : memref<50x256xi32, #tpu.memory_space<vmem>>, vector<16xi32>,
      %gather3A_99 = tpu.vector_load_idx %arg5[%get3A_98] : memref<100352xf32, #tpu.memory_space<vmem>>[vector<16xi32>], vector<16xf32>,
      %add3A_100 = arith.addf %add3A_76, %gather3A_99 : vector<16xf32>
      %get3A_101 = arith.constant 11 : i32
      %get3A_102 = arith.index_cast %get3A_101 : i32 to index
      %get3A_103 = arith.index_cast %add3A_40 : i32 to index
      %get3A_104 = tpu.vector_load %arg6[%get3A_102, %get3A_103] {strides = array<i32>} : memref<50x256xi32, #tpu.memory_space<vmem>>, vector<16xi32>,
      %gather3A_105 = tpu.vector_load_idx %arg5[%get3A_104] : memref<100352xf32, #tpu.memory_space<vmem>>[vector<16xi32>], vector<16xf32>,
      %add3A_106 = arith.addf %add3A_82, %gather3A_105 : vector<16xf32>
      %get3A_107 = arith.constant 12 : i32
      %get3A_108 = arith.index_cast %get3A_107 : i32 to index
      %get3A_109 = arith.index_cast %add3A_40 : i32 to index
      %get3A_110 = tpu.vector_load %arg6[%get3A_108, %get3A_109] {strides = array<i32>} : memref<50x256xi32, #tpu.memory_space<vmem>>, vector<16xi32>,
      %gather3A_111 = tpu.vector_load_idx %arg5[%get3A_110] : memref<100352xf32, #tpu.memory_space<vmem>>[vector<16xi32>], vector<16xf32>,
      %add3A_112 = arith.addf %add3A_88, %gather3A_111 : vector<16xf32>
      %get3A_113 = arith.constant 13 : i32
      %get3A_114 = arith.index_cast %get3A_113 : i32 to index
      %get3A_115 = arith.index_cast %add3A_40 : i32 to index
      %get3A_116 = tpu.vector_load %arg6[%get3A_114, %get3A_115] {strides = array<i32>} : memref<50x256xi32, #tpu.memory_space<vmem>>, vector<16xi32>,
      %gather3A_117 = tpu.vector_load_idx %arg5[%get3A_116] : memref<100352xf32, #tpu.memory_space<vmem>>[vector<16xi32>], vector<16xf32>,
      %add3A_118 = arith.addf %add3A_94, %gather3A_117 : vector<16xf32>
      %get3A_119 = arith.constant 14 : i32
      %get3A_120 = arith.index_cast %get3A_119 : i32 to index
      %get3A_121 = arith.index_cast %add3A_40 : i32 to index
      %get3A_122 = tpu.vector_load %arg6[%get3A_120, %get3A_121] {strides = array<i32>} : memref<50x256xi32, #tpu.memory_space<vmem>>, vector<16xi32>,
      %gather3A_123 = tpu.vector_load_idx %arg5[%get3A_122] : memref<100352xf32, #tpu.memory_space<vmem>>[vector<16xi32>], vector<16xf32>,
      %add3A_124 = arith.addf %add3A_100, %gather3A_123 : vector<16xf32>
      %get3A_125 = arith.constant 15 : i32
      %get3A_126 = arith.index_cast %get3A_125 : i32 to index
      %get3A_127 = arith.index_cast %add3A_40 : i32 to index
      %get3A_128 = tpu.vector_load %arg6[%get3A_126, %get3A_127] {strides = array<i32>} : memref<50x256xi32, #tpu.memory_space<vmem>>, vector<16xi32>,
      %gather3A_129 = tpu.vector_load_idx %arg5[%get3A_128] : memref<100352xf32, #tpu.memory_space<vmem>>[vector<16xi32>], vector<16xf32>,
      %add3A_130 = arith.addf %add3A_106, %gather3A_129 : vector<16xf32>
      %get3A_131 = arith.constant 16 : i32
      %get3A_132 = arith.index_cast %get3A_131 : i32 to index
      %get3A_133 = arith.index_cast %add3A_40 : i32 to index
      %get3A_134 = tpu.vector_load %arg6[%get3A_132, %get3A_133] {strides = array<i32>} : memref<50x256xi32, #tpu.memory_space<vmem>>, vector<16xi32>,
      %gather3A_135 = tpu.vector_load_idx %arg5[%get3A_134] : memref<100352xf32, #tpu.memory_space<vmem>>[vector<16xi32>], vector<16xf32>,
      %add3A_136 = arith.addf %add3A_112, %gather3A_135 : vector<16xf32>
      %get3A_137 = arith.constant 17 : i32
      %get3A_138 = arith.index_cast %get3A_137 : i32 to index
      %get3A_139 = arith.index_cast %add3A_40 : i32 to index
      %get3A_140 = tpu.vector_load %arg6[%get3A_138, %get3A_139] {strides = array<i32>} : memref<50x256xi32, #tpu.memory_space<vmem>>, vector<16xi32>,
      %gather3A_141 = tpu.vector_load_idx %arg5[%get3A_140] : memref<100352xf32, #tpu.memory_space<vmem>>[vector<16xi32>], vector<16xf32>,
      %add3A_142 = arith.addf %add3A_118, %gather3A_141 : vector<16xf32>
      %get3A_143 = arith.constant 18 : i32
      %get3A_144 = arith.index_cast %get3A_143 : i32 to index
      %get3A_145 = arith.index_cast %add3A_40 : i32 to index
      %get3A_146 = tpu.vector_load %arg6[%get3A_144, %get3A_145] {strides = array<i32>} : memref<50x256xi32, #tpu.memory_space<vmem>>, vector<16xi32>,
      %gather3A_147 = tpu.vector_load_idx %arg5[%get3A_146] : memref<100352xf32, #tpu.memory_space<vmem>>[vector<16xi32>], vector<16xf32>,
      %add3A_148 = arith.addf %add3A_124, %gather3A_147 : vector<16xf32>
      %get3A_149 = arith.constant 19 : i32
      %get3A_150 = arith.index_cast %get3A_149 : i32 to index
      %get3A_151 = arith.index_cast %add3A_40 : i32 to index
      %get3A_152 = tpu.vector_load %arg6[%get3A_150, %get3A_151] {strides = array<i32>} : memref<50x256xi32, #tpu.memory_space<vmem>>, vector<16xi32>,
      %gather3A_153 = tpu.vector_load_idx %arg5[%get3A_152] : memref<100352xf32, #tpu.memory_space<vmem>>[vector<16xi32>], vector<16xf32>,
      %add3A_154 = arith.addf %add3A_130, %gather3A_153 : vector<16xf32>
      %get3A_155 = arith.constant 20 : i32
      %get3A_156 = arith.index_cast %get3A_155 : i32 to index
      %get3A_157 = arith.index_cast %add3A_40 : i32 to index
      %get3A_158 = tpu.vector_load %arg6[%get3A_156, %get3A_157] {strides = array<i32>} : memref<50x256xi32, #tpu.memory_space<vmem>>, vector<16xi32>,
      %gather3A_159 = tpu.vector_load_idx %arg5[%get3A_158] : memref<100352xf32, #tpu.memory_space<vmem>>[vector<16xi32>], vector<16xf32>,
      %add3A_160 = arith.addf %add3A_136, %gather3A_159 : vector<16xf32>
      %get3A_161 = arith.constant 21 : i32
      %get3A_162 = arith.index_cast %get3A_161 : i32 to index
      %get3A_163 = arith.index_cast %add3A_40 : i32 to index
      %get3A_164 = tpu.vector_load %arg6[%get3A_162, %get3A_163] {strides = array<i32>} : memref<50x256xi32, #tpu.memory_space<vmem>>, vector<16xi32>,
      %gather3A_165 = tpu.vector_load_idx %arg5[%get3A_164] : memref<100352xf32, #tpu.memory_space<vmem>>[vector<16xi32>], vector<16xf32>,
      %add3A_166 = arith.addf %add3A_142, %gather3A_165 : vector<16xf32>
      %get3A_167 = arith.constant 22 : i32
      %get3A_168 = arith.index_cast %get3A_167 : i32 to index
      %get3A_169 = arith.index_cast %add3A_40 : i32 to index
      %get3A_170 = tpu.vector_load %arg6[%get3A_168, %get3A_169] {strides = array<i32>} : memref<50x256xi32, #tpu.memory_space<vmem>>, vector<16xi32>,
      %gather3A_171 = tpu.vector_load_idx %arg5[%get3A_170] : memref<100352xf32, #tpu.memory_space<vmem>>[vector<16xi32>], vector<16xf32>,
      %add3A_172 = arith.addf %add3A_148, %gather3A_171 : vector<16xf32>
      %get3A_173 = arith.constant 23 : i32
      %get3A_174 = arith.index_cast %get3A_173 : i32 to index
      %get3A_175 = arith.index_cast %add3A_40 : i32 to index
      %get3A_176 = tpu.vector_load %arg6[%get3A_174, %get3A_175] {strides = array<i32>} : memref<50x256xi32, #tpu.memory_space<vmem>>, vector<16xi32>,
      %gather3A_177 = tpu.vector_load_idx %arg5[%get3A_176] : memref<100352xf32, #tpu.memory_space<vmem>>[vector<16xi32>], vector<16xf32>,
      %add3A_178 = arith.addf %add3A_154, %gather3A_177 : vector<16xf32>
      %get3A_179 = arith.constant 24 : i32
      %get3A_180 = arith.index_cast %get3A_179 : i32 to index
      %get3A_181 = arith.index_cast %add3A_40 : i32 to index
      %get3A_182 = tpu.vector_load %arg6[%get3A_180, %get3A_181] {strides = array<i32>} : memref<50x256xi32, #tpu.memory_space<vmem>>, vector<16xi32>,
      %gather3A_183 = tpu.vector_load_idx %arg5[%get3A_182] : memref<100352xf32, #tpu.memory_space<vmem>>[vector<16xi32>], vector<16xf32>,
      %add3A_184 = arith.addf %add3A_160, %gather3A_183 : vector<16xf32>
      %get3A_185 = arith.constant 25 : i32
      %get3A_186 = arith.index_cast %get3A_185 : i32 to index
      %get3A_187 = arith.index_cast %add3A_40 : i32 to index
      %get3A_188 = tpu.vector_load %arg6[%get3A_186, %get3A_187] {strides = array<i32>} : memref<50x256xi32, #tpu.memory_space<vmem>>, vector<16xi32>,
      %gather3A_189 = tpu.vector_load_idx %arg5[%get3A_188] : memref<100352xf32, #tpu.memory_space<vmem>>[vector<16xi32>], vector<16xf32>,
      %add3A_190 = arith.addf %add3A_166, %gather3A_189 : vector<16xf32>
      %get3A_191 = arith.constant 26 : i32
      %get3A_192 = arith.index_cast %get3A_191 : i32 to index
      %get3A_193 = arith.index_cast %add3A_40 : i32 to index
      %get3A_194 = tpu.vector_load %arg6[%get3A_192, %get3A_193] {strides = array<i32>} : memref<50x256xi32, #tpu.memory_space<vmem>>, vector<16xi32>,
      %gather3A_195 = tpu.vector_load_idx %arg5[%get3A_194] : memref<100352xf32, #tpu.memory_space<vmem>>[vector<16xi32>], vector<16xf32>,
      %add3A_196 = arith.addf %add3A_172, %gather3A_195 : vector<16xf32>
      %get3A_197 = arith.constant 27 : i32
      %get3A_198 = arith.index_cast %get3A_197 : i32 to index
      %get3A_199 = arith.index_cast %add3A_40 : i32 to index
      %get3A_200 = tpu.vector_load %arg6[%get3A_198, %get3A_199] {strides = array<i32>} : memref<50x256xi32, #tpu.memory_space<vmem>>, vector<16xi32>,
      %gather3A_201 = tpu.vector_load_idx %arg5[%get3A_200] : memref<100352xf32, #tpu.memory_space<vmem>>[vector<16xi32>], vector<16xf32>,
      %add3A_202 = arith.addf %add3A_178, %gather3A_201 : vector<16xf32>
      %get3A_203 = arith.constant 28 : i32
      %get3A_204 = arith.index_cast %get3A_203 : i32 to index
      %get3A_205 = arith.index_cast %add3A_40 : i32 to index
      %get3A_206 = tpu.vector_load %arg6[%get3A_204, %get3A_205] {strides = array<i32>} : memref<50x256xi32, #tpu.memory_space<vmem>>, vector<16xi32>,
      %gather3A_207 = tpu.vector_load_idx %arg5[%get3A_206] : memref<100352xf32, #tpu.memory_space<vmem>>[vector<16xi32>], vector<16xf32>,
      %add3A_208 = arith.addf %add3A_184, %gather3A_207 : vector<16xf32>
      %get3A_209 = arith.constant 29 : i32
      %get3A_210 = arith.index_cast %get3A_209 : i32 to index
      %get3A_211 = arith.index_cast %add3A_40 : i32 to index
      %get3A_212 = tpu.vector_load %arg6[%get3A_210, %get3A_211] {strides = array<i32>} : memref<50x256xi32, #tpu.memory_space<vmem>>, vector<16xi32>,
      %gather3A_213 = tpu.vector_load_idx %arg5[%get3A_212] : memref<100352xf32, #tpu.memory_space<vmem>>[vector<16xi32>], vector<16xf32>,
      %add3A_214 = arith.addf %add3A_190, %gather3A_213 : vector<16xf32>
      %get3A_215 = arith.constant 30 : i32
      %get3A_216 = arith.index_cast %get3A_215 : i32 to index
      %get3A_217 = arith.index_cast %add3A_40 : i32 to index
      %get3A_218 = tpu.vector_load %arg6[%get3A_216, %get3A_217] {strides = array<i32>} : memref<50x256xi32, #tpu.memory_space<vmem>>, vector<16xi32>,
      %gather3A_219 = tpu.vector_load_idx %arg5[%get3A_218] : memref<100352xf32, #tpu.memory_space<vmem>>[vector<16xi32>], vector<16xf32>,
      %add3A_220 = arith.addf %add3A_196, %gather3A_219 : vector<16xf32>
      %get3A_221 = arith.constant 31 : i32
      %get3A_222 = arith.index_cast %get3A_221 : i32 to index
      %get3A_223 = arith.index_cast %add3A_40 : i32 to index
      %get3A_224 = tpu.vector_load %arg6[%get3A_222, %get3A_223] {strides = array<i32>} : memref<50x256xi32, #tpu.memory_space<vmem>>, vector<16xi32>,
      %gather3A_225 = tpu.vector_load_idx %arg5[%get3A_224] : memref<100352xf32, #tpu.memory_space<vmem>>[vector<16xi32>], vector<16xf32>,
      %add3A_226 = arith.addf %add3A_202, %gather3A_225 : vector<16xf32>
      %get3A_227 = arith.constant 32 : i32
      %get3A_228 = arith.index_cast %get3A_227 : i32 to index
      %get3A_229 = arith.index_cast %add3A_40 : i32 to index
      %get3A_230 = tpu.vector_load %arg6[%get3A_228, %get3A_229] {strides = array<i32>} : memref<50x256xi32, #tpu.memory_space<vmem>>, vector<16xi32>,
      %gather3A_231 = tpu.vector_load_idx %arg5[%get3A_230] : memref<100352xf32, #tpu.memory_space<vmem>>[vector<16xi32>], vector<16xf32>,
      %add3A_232 = arith.addf %add3A_208, %gather3A_231 : vector<16xf32>
      %get3A_233 = arith.constant 33 : i32
      %get3A_234 = arith.index_cast %get3A_233 : i32 to index
      %get3A_235 = arith.index_cast %add3A_40 : i32 to index
      %get3A_236 = tpu.vector_load %arg6[%get3A_234, %get3A_235] {strides = array<i32>} : memref<50x256xi32, #tpu.memory_space<vmem>>, vector<16xi32>,
      %gather3A_237 = tpu.vector_load_idx %arg5[%get3A_236] : memref<100352xf32, #tpu.memory_space<vmem>>[vector<16xi32>], vector<16xf32>,
      %add3A_238 = arith.addf %add3A_214, %gather3A_237 : vector<16xf32>
      %get3A_239 = arith.constant 34 : i32
      %get3A_240 = arith.index_cast %get3A_239 : i32 to index
      %get3A_241 = arith.index_cast %add3A_40 : i32 to index
      %get3A_242 = tpu.vector_load %arg6[%get3A_240, %get3A_241] {strides = array<i32>} : memref<50x256xi32, #tpu.memory_space<vmem>>, vector<16xi32>,
      %gather3A_243 = tpu.vector_load_idx %arg5[%get3A_242] : memref<100352xf32, #tpu.memory_space<vmem>>[vector<16xi32>], vector<16xf32>,
      %add3A_244 = arith.addf %add3A_220, %gather3A_243 : vector<16xf32>
      %get3A_245 = arith.constant 35 : i32
      %get3A_246 = arith.index_cast %get3A_245 : i32 to index
      %get3A_247 = arith.index_cast %add3A_40 : i32 to index
      %get3A_248 = tpu.vector_load %arg6[%get3A_246, %get3A_247] {strides = array<i32>} : memref<50x256xi32, #tpu.memory_space<vmem>>, vector<16xi32>,
      %gather3A_249 = tpu.vector_load_idx %arg5[%get3A_248] : memref<100352xf32, #tpu.memory_space<vmem>>[vector<16xi32>], vector<16xf32>,
      %add3A_250 = arith.addf %add3A_226, %gather3A_249 : vector<16xf32>
      %get3A_251 = arith.constant 36 : i32
      %get3A_252 = arith.index_cast %get3A_251 : i32 to index
      %get3A_253 = arith.index_cast %add3A_40 : i32 to index
      %get3A_254 = tpu.vector_load %arg6[%get3A_252, %get3A_253] {strides = array<i32>} : memref<50x256xi32, #tpu.memory_space<vmem>>, vector<16xi32>,
      %gather3A_255 = tpu.vector_load_idx %arg5[%get3A_254] : memref<100352xf32, #tpu.memory_space<vmem>>[vector<16xi32>], vector<16xf32>,
      %add3A_256 = arith.addf %add3A_232, %gather3A_255 : vector<16xf32>
      %get3A_257 = arith.constant 37 : i32
      %get3A_258 = arith.index_cast %get3A_257 : i32 to index
      %get3A_259 = arith.index_cast %add3A_40 : i32 to index
      %get3A_260 = tpu.vector_load %arg6[%get3A_258, %get3A_259] {strides = array<i32>} : memref<50x256xi32, #tpu.memory_space<vmem>>, vector<16xi32>,
      %gather3A_261 = tpu.vector_load_idx %arg5[%get3A_260] : memref<100352xf32, #tpu.memory_space<vmem>>[vector<16xi32>], vector<16xf32>,
      %add3A_262 = arith.addf %add3A_238, %gather3A_261 : vector<16xf32>
      %get3A_263 = arith.constant 38 : i32
      %get3A_264 = arith.index_cast %get3A_263 : i32 to index
      %get3A_265 = arith.index_cast %add3A_40 : i32 to index
      %get3A_266 = tpu.vector_load %arg6[%get3A_264, %get3A_265] {strides = array<i32>} : memref<50x256xi32, #tpu.memory_space<vmem>>, vector<16xi32>,
      %gather3A_267 = tpu.vector_load_idx %arg5[%get3A_266] : memref<100352xf32, #tpu.memory_space<vmem>>[vector<16xi32>], vector<16xf32>,
      %add3A_268 = arith.addf %add3A_244, %gather3A_267 : vector<16xf32>
      %get3A_269 = arith.constant 39 : i32
      %get3A_270 = arith.index_cast %get3A_269 : i32 to index
      %get3A_271 = arith.index_cast %add3A_40 : i32 to index
      %get3A_272 = tpu.vector_load %arg6[%get3A_270, %get3A_271] {strides = array<i32>} : memref<50x256xi32, #tpu.memory_space<vmem>>, vector<16xi32>,
      %gather3A_273 = tpu.vector_load_idx %arg5[%get3A_272] : memref<100352xf32, #tpu.memory_space<vmem>>[vector<16xi32>], vector<16xf32>,
      %add3A_274 = arith.addf %add3A_250, %gather3A_273 : vector<16xf32>
      %get3A_275 = arith.constant 40 : i32
      %get3A_276 = arith.index_cast %get3A_275 : i32 to index
      %get3A_277 = arith.index_cast %add3A_40 : i32 to index
      %get3A_278 = tpu.vector_load %arg6[%get3A_276, %get3A_277] {strides = array<i32>} : memref<50x256xi32, #tpu.memory_space<vmem>>, vector<16xi32>,
      %gather3A_279 = tpu.vector_load_idx %arg5[%get3A_278] : memref<100352xf32, #tpu.memory_space<vmem>>[vector<16xi32>], vector<16xf32>,
      %add3A_280 = arith.addf %add3A_256, %gather3A_279 : vector<16xf32>
      %get3A_281 = arith.constant 41 : i32
      %get3A_282 = arith.index_cast %get3A_281 : i32 to index
      %get3A_283 = arith.index_cast %add3A_40 : i32 to index
      %get3A_284 = tpu.vector_load %arg6[%get3A_282, %get3A_283] {strides = array<i32>} : memref<50x256xi32, #tpu.memory_space<vmem>>, vector<16xi32>,
      %gather3A_285 = tpu.vector_load_idx %arg5[%get3A_284] : memref<100352xf32, #tpu.memory_space<vmem>>[vector<16xi32>], vector<16xf32>,
      %add3A_286 = arith.addf %add3A_262, %gather3A_285 : vector<16xf32>
      %get3A_287 = arith.constant 42 : i32
      %get3A_288 = arith.index_cast %get3A_287 : i32 to index
      %get3A_289 = arith.index_cast %add3A_40 : i32 to index
      %get3A_290 = tpu.vector_load %arg6[%get3A_288, %get3A_289] {strides = array<i32>} : memref<50x256xi32, #tpu.memory_space<vmem>>, vector<16xi32>,
      %gather3A_291 = tpu.vector_load_idx %arg5[%get3A_290] : memref<100352xf32, #tpu.memory_space<vmem>>[vector<16xi32>], vector<16xf32>,
      %add3A_292 = arith.addf %add3A_268, %gather3A_291 : vector<16xf32>
      %get3A_293 = arith.constant 43 : i32
      %get3A_294 = arith.index_cast %get3A_293 : i32 to index
      %get3A_295 = arith.index_cast %add3A_40 : i32 to index
      %get3A_296 = tpu.vector_load %arg6[%get3A_294, %get3A_295] {strides = array<i32>} : memref<50x256xi32, #tpu.memory_space<vmem>>, vector<16xi32>,
      %gather3A_297 = tpu.vector_load_idx %arg5[%get3A_296] : memref<100352xf32, #tpu.memory_space<vmem>>[vector<16xi32>], vector<16xf32>,
      %add3A_298 = arith.addf %add3A_274, %gather3A_297 : vector<16xf32>
      %get3A_299 = arith.constant 44 : i32
      %get3A_300 = arith.index_cast %get3A_299 : i32 to index
      %get3A_301 = arith.index_cast %add3A_40 : i32 to index
      %get3A_302 = tpu.vector_load %arg6[%get3A_300, %get3A_301] {strides = array<i32>} : memref<50x256xi32, #tpu.memory_space<vmem>>, vector<16xi32>,
      %gather3A_303 = tpu.vector_load_idx %arg5[%get3A_302] : memref<100352xf32, #tpu.memory_space<vmem>>[vector<16xi32>], vector<16xf32>,
      %add3A_304 = arith.addf %add3A_280, %gather3A_303 : vector<16xf32>
      %get3A_305 = arith.constant 45 : i32
      %get3A_306 = arith.index_cast %get3A_305 : i32 to index
      %get3A_307 = arith.index_cast %add3A_40 : i32 to index
      %get3A_308 = tpu.vector_load %arg6[%get3A_306, %get3A_307] {strides = array<i32>} : memref<50x256xi32, #tpu.memory_space<vmem>>, vector<16xi32>,
      %gather3A_309 = tpu.vector_load_idx %arg5[%get3A_308] : memref<100352xf32, #tpu.memory_space<vmem>>[vector<16xi32>], vector<16xf32>,
      %add3A_310 = arith.addf %add3A_286, %gather3A_309 : vector<16xf32>
      %get3A_311 = arith.constant 46 : i32
      %get3A_312 = arith.index_cast %get3A_311 : i32 to index
      %get3A_313 = arith.index_cast %add3A_40 : i32 to index
      %get3A_314 = tpu.vector_load %arg6[%get3A_312, %get3A_313] {strides = array<i32>} : memref<50x256xi32, #tpu.memory_space<vmem>>, vector<16xi32>,
      %gather3A_315 = tpu.vector_load_idx %arg5[%get3A_314] : memref<100352xf32, #tpu.memory_space<vmem>>[vector<16xi32>], vector<16xf32>,
      %add3A_316 = arith.addf %add3A_292, %gather3A_315 : vector<16xf32>
      %get3A_317 = arith.constant 47 : i32
      %get3A_318 = arith.index_cast %get3A_317 : i32 to index
      %get3A_319 = arith.index_cast %add3A_40 : i32 to index
      %get3A_320 = tpu.vector_load %arg6[%get3A_318, %get3A_319] {strides = array<i32>} : memref<50x256xi32, #tpu.memory_space<vmem>>, vector<16xi32>,
      %gather3A_321 = tpu.vector_load_idx %arg5[%get3A_320] : memref<100352xf32, #tpu.memory_space<vmem>>[vector<16xi32>], vector<16xf32>,
      %add3A_322 = arith.addf %add3A_298, %gather3A_321 : vector<16xf32>
      %get3A_323 = arith.constant 48 : i32
      %get3A_324 = arith.index_cast %get3A_323 : i32 to index
      %get3A_325 = arith.index_cast %add3A_40 : i32 to index
      %get3A_326 = tpu.vector_load %arg6[%get3A_324, %get3A_325] {strides = array<i32>} : memref<50x256xi32, #tpu.memory_space<vmem>>, vector<16xi32>,
      %gather3A_327 = tpu.vector_load_idx %arg5[%get3A_326] : memref<100352xf32, #tpu.memory_space<vmem>>[vector<16xi32>], vector<16xf32>,
      %add3A_328 = arith.addf %add3A_304, %gather3A_327 : vector<16xf32>
      %get3A_329 = arith.constant 49 : i32
      %get3A_330 = arith.index_cast %get3A_329 : i32 to index
      %get3A_331 = arith.index_cast %add3A_40 : i32 to index
      %get3A_332 = tpu.vector_load %arg6[%get3A_330, %get3A_331] {strides = array<i32>} : memref<50x256xi32, #tpu.memory_space<vmem>>, vector<16xi32>,
      %gather3A_333 = tpu.vector_load_idx %arg5[%get3A_332] : memref<100352xf32, #tpu.memory_space<vmem>>[vector<16xi32>], vector<16xf32>,
      %add3A_334 = arith.addf %add3A_310, %gather3A_333 : vector<16xf32>
      %add3A_335 = arith.addf %add3A_328, %add3A_334 : vector<16xf32>
      %add3A_336 = arith.addf %add3A_316, %add3A_322 : vector<16xf32>
      %add3A_337 = arith.addf %add3A_335, %add3A_336 : vector<16xf32>
      %add3A_338 = arith.constant 256 : i32
      %add3A_339 = arith.addi %add3A_338, %add3A_40 : i32
      %swap3A = arith.index_cast %add3A_339 : i32 to index
      %swap3A_340 = tpu.vector_load %arg7[%swap3A] {strides = array<i32>} : memref<512xf32, #tpu.memory_space<vmem>>, vector<16xf32>,
      tpu.vector_store %arg7[%swap3A], %add3A_337 {strides = array<i32>} : memref<512xf32, #tpu.memory_space<vmem>>, vector<16xf32>,
    }
    %scan3A_35 = arith.constant 16 : i32
    "tpu.region"() ({
      %run_scoped3A = tpu.sem_alloc : memref<!tpu.dma_semaphore, #tpu.memory_space<semaphore_mem>>
      %dma_start3A_36 = tpu.memref_slice %arg4[%mul3A_2] : memref<16384xf32, #tpu.memory_space<hbm>> -> memref<512xf32, #tpu.memory_space<hbm>>
      %dma_start3A_37 = tpu.memref_slice %arg4[%mul3A_2] : memref<16384xf32, #tpu.memory_space<hbm>> -> memref<512xf32, #tpu.memory_space<hbm>>
      tpu.enqueue_dma source(%arg7 : memref<512xf32, #tpu.memory_space<vmem>>) target(%dma_start3A_37 : memref<512xf32, #tpu.memory_space<hbm>>) target_semaphore(%run_scoped3A : memref<!tpu.dma_semaphore, #tpu.memory_space<semaphore_mem>>)
      %dma_wait3A_38 = tpu.memref_slice %arg4[%mul3A_2] : memref<16384xf32, #tpu.memory_space<hbm>> -> memref<512xf32, #tpu.memory_space<hbm>>
      %dma_wait3A_39 = tpu.memref_slice %arg4[%mul3A_2] : memref<16384xf32, #tpu.memory_space<hbm>> -> memref<512xf32, #tpu.memory_space<hbm>>
      tpu.wait_dma2 semaphore(%run_scoped3A : memref<!tpu.dma_semaphore, #tpu.memory_space<semaphore_mem>>) src(%arg7 : memref<512xf32, #tpu.memory_space<vmem>>) dst(%dma_wait3A_39 : memref<512xf32, #tpu.memory_space<hbm>>)
      tpu.yield
    }) : () -> ()
    return
  }
}

module attributes {stable_mosaic.version = 14 : i64} {
  func.func @_tc_project_body(%arg0: i32, %arg1: memref<300x8192xf32, #tpu.memory_space<vmem>>, %arg2: memref<1x300xf32, #tpu.memory_space<vmem>>, %arg3: memref<1x1xf32, #tpu.memory_space<vmem>>, %arg4: memref<1x1x8192xf32, #tpu.memory_space<vmem>>) attributes {dimension_semantics = [#tpu.dimension_semantics<parallel>], iteration_bounds = array<i64: 13>, scalar_prefetch = 0 : i64, scratch_operands = 0 : i64, tpu.core_type = #tpu.core_type<tc>, window_params = [{transform_indices = @transform_0, window_bounds = array<i64: 300, 8192>}, {pipeline_mode = #tpu.pipeline_mode<synchronous>, transform_indices = @transform_1, window_bounds = array<i64: 1, 300>}, {pipeline_mode = #tpu.pipeline_mode<synchronous>, transform_indices = @transform_2, window_bounds = array<i64: 1, 1>}, {transform_indices = @transform_3, window_bounds = array<i64: 1, 1, 8192>}]} {
    %get3A = arith.constant 0 : index
    %get3A_0 = arith.constant 0 : index
    %get3A_1 = vector.load %arg2[%get3A, %get3A_0] : memref<1x300xf32, #tpu.memory_space<vmem>>, vector<1x300xf32>
    %get3A_2 = arith.constant 0 : index
    %get3A_3 = arith.constant 0 : index
    %get3A_4 = vector.load %arg1[%get3A_2, %get3A_3] : memref<300x8192xf32, #tpu.memory_space<vmem>>, vector<300x8192xf32>
    %dot_general3A = arith.constant dense<0.000000e+00> : vector<1x8192xf32>
    %dot_general3A_5 = tpu.matmul %get3A_1, %get3A_4, %dot_general3A {dimension_numbers = #tpu.dot_dimension_numbers<[1], [0], [0], [1], [0, 0, 1, 1], [], []>, transpose_lhs_hint = false} : vector<1x300xf32>, vector<300x8192xf32>, vector<1x8192xf32> -> vector<1x8192xf32>
    %get3A_6 = arith.constant 0 : index
    %get3A_7 = arith.constant 0 : index
    %get3A_8 = vector.load %arg3[%get3A_6, %get3A_7] : memref<1x1xf32, #tpu.memory_space<vmem>>, vector<1x1xf32>
    %add3A = vector.broadcast %get3A_8 : vector<1x1xf32> to vector<1x8192xf32>
    %add3A_9 = arith.addf %dot_general3A_5, %add3A : vector<1x8192xf32>
    %mul3A = arith.constant 2.000000e-02 : f32
    %mul3A_10 = vector.broadcast %mul3A : f32 to vector<1x8192xf32>
    %mul3A_11 = arith.mulf %add3A_9, %mul3A_10 : vector<1x8192xf32>
    %swap3A = arith.constant 0 : index
    %swap3A_12 = arith.constant 0 : index
    %swap3A_13 = arith.constant 0 : index
    %swap3A_14 = vector.load %arg4[%swap3A, %swap3A_12, %swap3A_13] : memref<1x1x8192xf32, #tpu.memory_space<vmem>>, vector<1x1x8192xf32>
    %swap3A_15 = vector.shape_cast %swap3A_14 : vector<1x1x8192xf32> to vector<1x8192xf32>
    %swap3A_16 = vector.shape_cast %mul3A_11 : vector<1x8192xf32> to vector<1x1x8192xf32>
    tpu.vector_store %arg4[%swap3A, %swap3A_12, %swap3A_13], %swap3A_16 {strides = array<i32>} : memref<1x1x8192xf32, #tpu.memory_space<vmem>>, vector<1x1x8192xf32>,
    return
  }
  func.func @transform_0(%arg0: i32) -> (i32, i32) {
    %c0_i32 = arith.constant 0 : i32
    %c0_i32_0 = arith.constant 0 : i32
    return %c0_i32, %arg0 : i32, i32
  }
  func.func @transform_1(%arg0: i32) -> (i32, i32) {
    %c0_i32 = arith.constant 0 : i32
    %c0_i32_0 = arith.constant 0 : i32
    %c0_i32_1 = arith.constant 0 : i32
    return %c0_i32, %c0_i32_0 : i32, i32
  }
  func.func @transform_2(%arg0: i32) -> (i32, i32) {
    %c0_i32 = arith.constant 0 : i32
    %c0_i32_0 = arith.constant 0 : i32
    %c0_i32_1 = arith.constant 0 : i32
    return %c0_i32, %c0_i32_0 : i32, i32
  }
  func.func @transform_3(%arg0: i32) -> (i32, i32, i32) {
    %c0_i32 = arith.constant 0 : i32
    %c0_i32_0 = arith.constant 0 : i32
    %c0_i32_1 = arith.constant 0 : i32
    return %arg0, %c0_i32, %c0_i32_0 : i32, i32, i32
  }
}

</mosaic_0001>

<sc_bundles>
// kernel: kernel.4.cloned.1.call-start
scs
__scs_entry_jumppad:
0x0: {  	(pc) =	sbr.rel $0x88, $3  }
0x1: {  	(tag) =	ssettag $0x0;
	lr =	simm.s32 $0x1  }
0x2: {  	[smem:$0x3F9D] =	sst lr;
	_ =	strace $0xD0000000  }
0x3: {  	_ = 	snop  }
0x4: {  	_ = 	snop  }
0x5: {  	_ = 	snop  }
0x6: {  	_ = 	snop  }
0x7: {  	_ = 	snop  }
__scs_overlays_trampoline_lowered:
0x8: {  	[smem:$0x3FAC] =	sst s0  }
0x9: {  	[smem:$0x3FAD] =	sst s1  }
0xa: {  	[smem:$0x3FAE] =	sst s2  }
0xb: {  	[smem:$0x3FAF] =	sst s3  }
0xc: {  	[smem:$0x3FB0] =	sst s4  }
0xd: {  	[smem:$0x3FB1] =	sst s5  }
0xe: {  	[smem:$0x3FB2] =	sst s6  }
0xf: {  	[smem:$0x3FB3] =	sst s7  }
0x10: {  	[smem:$0x3FB4] =	sst s8  }
0x11: {  	[smem:$0x3FB5] =	sst s9;
	s0 =	simm.s32 @!p0 $0x0  }
0x12: {  	s1 =	sld [smem:$0x3F9B];
	s0 =	simm.s32 @p0 $0x1  }
0x13: {  	[smem:$0x3FB6] =	sst s0;
	s0 =	simm.s32 @!p1 $0x0  }
0x14: {  	s2 =	sld [smem:$0x3F9A];
	s0 =	simm.s32 @p1 $0x1  }
0x15: {  	[smem:$0x3FB7] =	sst s0;
	s0 =	simm.s32 @!p2 $0x0  }
0x16: {  	s3 =	sld [smem:$0x3FDB];
	s0 =	simm.s32 @p2 $0x1  }
0x17: {  	s4 =	simm.s32 $0x1BF5;
	[smem:$0x3FB9] =	sst s0  }
0x18: {  	s0 =	sld [smem:$0x3F9C];
	_ =	swait.ge [sflag:s4], $0x0  }
0x19: {  	s7 =	sld [smem:$0x3F9D]  }
0x1a: {  	s8 =	sadd.s32 $0xFFFFE003, lr  }
0x1b: {  	s9 =	sadd.s32 $0xFFFFFEF7, lr;
	s5 =	simm.s32 $0xFFFFFFFF;
	p2 =	slt.u32 s8, $0xFFFFF086  }
0x1c: {  	p1 =	slt.u32 s9, $0xF7A;
	s5 =	simm.s32 @!p2 $0x0  }
0x1d: {  	s5 =	simm.s32 @p1 $0x1;
	p0 =	seq.s32 s7, s2  }
0x1e: {  	s7 =	smul.u32 @!p0 $0xF7A, s2;
	p2 =	seq.s32 @!p0 s5, $0x0  }
0x1f: {  	s9 =	smul.u32 $0xF7A, s1;
	s8 =	simm.s32 @!p0 $0x1BF5;
	p2 =	por !p2, p0  }
0x20: {  	[sflag:s8] =	ssyncset.s32 @!p0 $0xFFFFF086;
	s6 =	sadd.s32 @!p0 s3, s7;
	s7 =	simm.s32 @!p0 $0x108  }
0x21: {  	s3 =	sadd.s32 s3, s9;
	s6 =	sadd.s32 @!p0 $0x88, s6;
	s7 =	simm.s32 @p2 $0x1082  }
0x22: {  	[simem:s7], [sflag:s8] =	dma.local @!p0 [hbm:s6], $0xF7A  }
0x23: {  	s9 =	sor.u32 $0xD0000000, s2;
	s6 =	simm.s32 $0x108;
	_ =	swait.ge @!p0 [sflag:s8], $0x0  }
0x24: {  	s3 =	sadd.s32 $0x88, s3;
	s6 =	simm.s32 @!p1 $0x1082;
	[sflag:s4] =	ssyncset.s32 $0xFFFFF086  }
0x25: {  	[simem:s6], [sflag:s4] =	dma.local [hbm:s3], $0xF7A  }
0x26: {  	[smem:$0x3F9D] =	sst s1;
	(tag) =	ssettag s2;
	_ =	strace s9  }
0x27: {  	s1 =	sld [smem:$0x3FAD]  }
0x28: {  	s2 =	sld [smem:$0x3FAE]  }
0x29: {  	s4 =	sld [smem:$0x3FB0]  }
0x2a: {  	p0 =	seq.s32 s5, $0x0;
	s5 =	sld [smem:$0x3FB1]  }
0x2b: {  	s6 =	sld [smem:$0x3FB2]  }
0x2c: {  	s7 =	sld [smem:$0x3FB3]  }
0x2d: {  	s3 =	simm.s32 $0x108;
	s8 =	sld [smem:$0x3FB4]  }
0x2e: {  	s3 =	simm.s32 @!p0 $0x1082;
	s9 =	sld [smem:$0x3FB5]  }
0x2f: {  	lr =	sadd.s32 s0, s3;
	s0 =	sld [smem:$0x3FAC]  }
0x30: {  	s3 =	sld [smem:$0x3FAF]  }
0x31: {  	[smem:$0x3FB8] =	sst s10  }
0x32: {  	s10 =	sld [smem:$0x3FB6];
	_ =	sdelay $0x3  }
0x33: {  	p0 =	seq.s32 s10, $0x1;
	s10 =	sld [smem:$0x3FB8];
	_ =	sdelay $0x3  }
0x34: {  	[smem:$0x3FB8] =	sst s10  }
0x35: {  	s10 =	sld [smem:$0x3FB7];
	_ =	sdelay $0x3  }
0x36: {  	p1 =	seq.s32 s10, $0x1;
	s10 =	sld [smem:$0x3FB8];
	_ =	sdelay $0x3  }
0x37: {  	[smem:$0x3FB8] =	sst s10  }
0x38: {  	s10 =	sld [smem:$0x3FB9]  }
0x39: {  	_ = 	snop;
	(pc) =	sbr.ind lr, $3  }
0x3a: {  	_ = 	snop  }
0x3b: {  	_ = 	snop  }
0x3c: {  	p2 =	seq.s32 s10, $0x1;
	s10 =	sld [smem:$0x3FB8]  }
0x3d: {  	_ =	shalt  }
0x3e: {  	_ =	shalt  }
0x3f: {  	_ =	shalt  }
0x40: {  	_ =	shalt  }
0x41: {  	_ =	shalt  }
0x42: {  	_ =	shalt  }
0x43: {  	_ =	shalt  }
0x44: {  	_ =	shalt  }
0x45: {  	_ =	shalt  }
0x46: {  	_ =	shalt  }
0x47: {  	_ =	shalt  }
0x48: {  	_ =	shalt  }
0x49: {  	_ =	shalt  }
0x4a: {  	_ =	shalt  }
0x4b: {  	_ =	shalt  }
0x4c: {  	_ =	shalt  }
0x4d: {  	_ =	shalt  }
0x4e: {  	_ =	shalt  }
0x4f: {  	_ =	shalt  }
0x50: {  	_ =	shalt  }
0x51: {  	_ =	shalt  }
0x52: {  	_ =	shalt  }
0x53: {  	_ =	shalt  }
0x54: {  	_ =	shalt  }
0x55: {  	_ =	shalt  }
0x56: {  	_ =	shalt  }
0x57: {  	_ =	shalt  }
0x58: {  	_ =	shalt  }
0x59: {  	_ =	shalt  }
0x5a: {  	_ =	shalt  }
0x5b: {  	_ =	shalt  }
0x5c: {  	_ =	shalt  }
0x5d: {  	_ =	shalt  }
0x5e: {  	_ =	shalt  }
0x5f: {  	_ =	shalt  }
0x60: {  	_ =	shalt  }
0x61: {  	_ =	shalt  }
0x62: {  	_ =	shalt  }
0x63: {  	_ =	shalt  }
0x64: {  	_ =	shalt  }
0x65: {  	_ =	shalt  }
0x66: {  	_ =	shalt  }
0x67: {  	_ =	shalt  }
0x68: {  	_ =	shalt  }
0x69: {  	_ =	shalt  }
0x6a: {  	_ =	shalt  }
0x6b: {  	_ =	shalt  }
0x6c: {  	_ =	shalt  }
0x6d: {  	_ =	shalt  }
0x6e: {  	_ =	shalt  }
0x6f: {  	_ =	shalt  }
0x70: {  	_ =	shalt  }
0x71: {  	_ =	shalt  }
0x72: {  	_ =	shalt  }
0x73: {  	_ =	shalt  }
0x74: {  	_ =	shalt  }
0x75: {  	_ =	shalt  }
0x76: {  	_ =	shalt  }
0x77: {  	_ =	shalt  }
0x78: {  	_ =	shalt  }
0x79: {  	_ =	shalt  }
0x7a: {  	_ =	shalt  }
0x7b: {  	_ =	shalt  }
0x7c: {  	_ =	shalt  }
0x7d: {  	_ =	shalt  }
0x7e: {  	_ =	shalt  }
0x7f: {  	_ =	shalt  }
0x80: {  	_ =	shalt  }
0x81: {  	_ =	shalt  }
0x82: {  	_ =	shalt  }
0x83: {  	_ =	shalt  }
0x84: {  	_ =	shalt  }
0x85: {  	_ =	shalt  }
0x86: {  	_ =	shalt  }
0x87: {  	_ =	shalt  }
.Lfunc_end0:
.L_simem_size_0:
called_computation_lowered:
.L_overlay_start_0:
0x88: {  	s2 =	sld [smem:$0x3FD9]  }
0x89: {  	s3 =	sld [smem:$0x3FFE];
	_ =	sdelay $0x1  }
0x8a: {  	s1 =	srdreg.scid  }
0x8b: {  	s0 =	sand.u32 $0x1, s1  }
0x8c: {  	s17 =	sshll.u32 s0, $0xA;
	s2 =	sadd.s32 s3, s2  }
0x8d: {  	s2 =	sadd.s32 s2, s17  }
0x8e: {  	[smem:$0x3FC4] =	sst s2  }
0x8f: {  	_ = 	snop  }
0x90: {  	s2 =	sld [smem:$0x3FC9]  }
0x91: {  	s18 =	sld [smem:$0x3FD0];
	(tm) =	ssettm $0x1  }
0x92: {  	s4 =	sld [smem:$0x3FFB];
	_ =	sdelay $0x3  }
0x93: {  	_ =	strace s4  }
0x94: {  	s4 =	sld [smem:$0x3FFC];
	_ =	sdelay $0x3  }
0x95: {  	_ =	strace s4  }
0x96: {  	s4 =	sld [smem:$0x3FFD];
	_ =	sdelay $0x3  }
0x97: {  	_ =	strace s4  }
0x98: {  	_ =	strace $0x8FFFFFFF  }
0x99: {  	s19 =	sld [smem:$0x3FDB];
	_ =	sdelay $0x1  }
0x9a: {  	s5 =	simm.s32 $_scs_section_size  }
0x9b: {  	s6 =	simm.s32 $_size__tile_overlayer_lowered;
	s7 =	simm.s32 $_tile_overlayer_lowered  }
0x9c: {  	s22 =	simm.s32 $0x1BFF;
	s21 =	sshll.u32 s7, $0x1;
	s4 =	sadd.s32 s5, s19  }
0x9d: {  	s8 =	simm.s32 $0x0;
	s20 =	sshll.u32 s6, $0x1;
	s6 =	sadd.s32 s21, s4  }
0x9e: {  	[timem:s8], [sflag:s22] =	dma.local [hbm:s6], s20  }
0x9f: {  	_ =	swait.ge [sflag:s22], s20  }
0xa0: {  	s5 =	ssub.s32 $0x0, s20;
	[sflag:s22] =	ssyncset.done $0x0  }
0xa1: {  	[sflag:s22] =	ssyncadd.s32 s5;
	_ =	sdelay $0x1  }
0xa2: {  	s23 =	simm.s32 $0x1B8B  }
0xa3: {  	_ =	swait.ge [sflag:s23], $0x1  }
0xa4: {  	[sflag:s23] =	ssyncset.done $0x0  }
0xa5: {  	s25 =	simm.s32 $0x1B8E;
	s24 =	sld [smem:$0x3FFE];
	[sflag:s23] =	ssyncadd.s32 $0xFFFFFFFF  }
0xa6: {  	s26 =	simm.s32 $execute0_lowered;
	[smem:$0x3FD2] =	sst s25  }
0xa7: {  	s6 =	sshll.u32 s26, $0x1;
	_ =	strace $0x80000046;
	[dreg:$0x1] =	wrdreg $0xFFFFFFFF  }
0xa8: {  	s28 =	simm.s32 $_size_execute0_lowered;
	s4 =	sadd.s32 s4, s6;
	[dreg:$0x0] =	wrdreg $0x0  }
0xa9: {  	s6 =	sshll.u32 s28, $0x1;
	[dreg:$0x2] =	wrdreg s4  }
0xaa: {  	[dreg:$0x3] =	wrdreg s6  }
0xab: {  	[dreg:$0x4] =	wrdreg $0xC0  }
0xac: {  	_ =	task [dreg:s8], $0x5FFFF  }
0xad: {  	[dreg:$0x1] =	wrdreg $0xFFFFFFFF  }
0xae: {  	[dreg:$0x0] =	wrdreg $0x60  }
0xaf: {  	[dreg:$0x2] =	wrdreg s24  }
0xb0: {  	[dreg:$0x3] =	wrdreg s2  }
0xb1: {  	[dreg:$0x4] =	wrdreg s18  }
0xb2: {  	[dreg:$0x5] =	wrdreg $0x1C2000  }
0xb3: {  	[dreg:$0x6] =	wrdreg $0x9  }
0xb4: {  	_ =	task.clear_ibuf [dreg:s8], $0x7FFFF;
	_ =	strace $0x90000046  }
0xb5: {  	s29 =	simm.s32 $0x9;
	_ =	strace $0x80000048  }
0xb6: {  	_ =	swait.ge [sflag:s29], $0x1  }
0xb7: {  	[sflag:s29] =	ssyncadd.s32 $0xFFFFFFFF  }
0xb8: {  	_ =	strace $0x90000048  }
0xb9: {  	_ =	sfence  }
0xba: {  	s30 =	sld [smem:$0x0];
	_ =	sdelay $0x2  }
0xbb: {  	s31 =	sshll.u32 s1, $0xD;
	s1 =	sshrl.u32 s1, $0x2  }
0xbc: {  	s3 =	sand.u32 $0x4000, s31;
	s1 =	sadd.s32 s1, s30  }
0xbd: {  	s0 =	sor.u32 s3, s0;
	s1 =	sshll.u32 s1, $0x11  }
0xbe: {  	s0 =	sor.u32 s1, s0  }
0xbf: {  	s0 =	sadd.s32 $0x8F2B, s0  }
0xc0: {  	[sflag:s0] =	ssyncadd.remote.s32 $0x1  }
0xc1: {  	_ =	sfence.sel $0xFFFF  }
0xc2: {  	[dreg:$0x0] =	wrdreg $0xFFFFFFFF;
	(pc) =	sbr.abs _section_cstart, $3  }
0xc3: {  	[dreg:$0x1] =	wrdreg $0xFFFFFFFF  }
0xc4: {  	_ =	task.clear_ibuf [dreg:s8], $0x2FFFF;
	_ =	strace $0x9FFFFFFF  }
0xc5: {  	(tm) =	ssettm $0x7FFFFFFF  }
tec
execute0_lowered:
.L_overlay_start_1:
0x0: {  	(tag) =	ssettag $0x1  }
0x1: {  	s4 =	rddreg [dreg:$0x0]  }
0x2: {  	s6 =	rddreg [dreg:$0x1]  }
0x3: {  	s8 =	rddreg [dreg:$0x2]  }
0x4: {  	s2 =	rddreg [dreg:$0x3]  }
0x5: {  	s0 =	rddreg [dreg:$0x4]  }
0x6: {  	s1 =	stileid.u32;
	s3 =	simm.s32 $0x0;
	s7 =	srdreg.scid  }
0x7: {  	s13 =	simm.s32 $0x18800;
	s14 =	simm.s32 $0x1;
	s15 =	simm.s32 $0x3  }
0x8: {  	s16 =	simm.s32 $0x2;
	s17 =	simm.s32 $0x1C000;
	s18 =	simm.s32 $0x0  }
0x9: {  	s5 =	smul.u32 $0x1880, s1;
	[smem:$0x7FF] =	sst s3;
	s7 =	sand.u32 $0x1, s7  }
0xa: {  	s12 =	sshll.u32 s1, $0xA;
	s30 =	sshll.u32 s1, $0x6;
	_ =	strace $0x80000047  }
0xb: {  	s10 =	ssub.s32 $0x2, s7;
	s7 =	sshll.u32 s7, $0x9;
	s9 =	sshrl.u32 s5, $0x3  }
0xc: {  	s11 =	sshrl.u32 s10, $0x1;
	s7 =	sor.u32 s7, s12;
	s29 =	sadd.s32 s5, s2  }
0xd: {  	s5 =	sor.u32 $0x1C01, s30;
	s12 =	simm.s32 $0x20000;
	s4 =	sadd.s32 s9, s4  }
0xe: {  	s28 =	ssub.s32 s10, s11;
	s6 =	sadd.s32 s6, s7;
	s31 =	sshrl.u32 s7, $0x3  }
0xf: {  	s10 =	sshrl.u32 s29, $0x3;
	s11 =	simm.s32 $0x800;
	s4 =	sadd.s32 $0x800, s4  }
0x10: {  	s7 =	sadd.s32 $0x100, s6;
	s8 =	sadd.s32 s8, s31;
	s9 =	smax.u32 s28, $0x1  }
.LBB2_1:
0x11: {  	[spmem:s10], [sflag:s5] =	dma.local [hbm:s4], $0x310  }
0x12: {  	[tilespmem:s13], [sflag:$0x2] =	stream.strided.gather [hbm4b:s6+s11], $0x3800, s12, s11, $0x38;
	[tilespmem:$0x1DA80] =	vst v63  }
0x13: {  	_ =	swait.ge [sflag:s14], $0x310  }
0x14: {  	[sflag:s14] =	ssyncset.done $0x0  }
0x15: {  	[sflag:s14] =	ssyncadd.s32 $0xFFFFFCF0  }
0x16: {  	[bflag:$0x0] =	sbarrier.arrive $0xFFFF  }
0x17: {  	[tilespmem:s3], [sflag:$0x3] =	stream.linear.gather [spmem:s2], $0x18800, $0x38;
	[tilespmem:$0x1DA80] =	vst v63  }
0x18: {  	_ =	swait.ge [sflag:s15], $0x18800  }
0x19: {  	[sflag:s15] =	ssyncset.done $0x0  }
0x1a: {  	[sflag:s15] =	ssyncadd.s32 $0xFFFE7800  }
0x1b: {  	_ =	swait.ge [sflag:s16], $0x3800  }
0x1c: {  	s19 =	sand.u32 $0x70, s3;
	s20 =	sand.u32 $0x400, s3;
	[sflag:s16] =	ssyncset.done $0x0  }
0x1d: {  	s19 =	sor.u32 s19, s20;
	[sflag:s16] =	ssyncadd.s32 $0xFFFFC800  }
0x1e: {  	v0 =	vld [tilespmem:s19+$0x1B800]  }
0x1f: {  	v1 =	vld [tilespmem:s19+$0x1B300]  }
0x20: {  	v2 =	vld [tilespmem:s19+$0x1B200]  }
0x21: {  	v3 =	vld [tilespmem:s19+$0x1B100]  }
0x22: {  	v4 =	vld [tilespmem:s19+$0x1B880]  }
0x23: {  	v5 =	vld [tilespmem:s19+$0x1B000]  }
0x24: {  	v6 =	vld [tilespmem:s19+$0x1B380]  }
0x25: {  	v7 =	vld [tilespmem:s19+$0x1AB00]  }
0x26: {  	v8 =	vld [tilespmem:s19+$0x1B280]  }
0x27: {  	v9 =	vld [tilespmem:s19+$0x1AA00]  }
0x28: {  	v10 =	vld [tilespmem:s19+$0x1B180]  }
0x29: {  	v11 =	vld [tilespmem:s19+$0x1A900]  }
0x2a: {  	v12 =	vld [tilespmem:s19+$0x1B080]  }
0x2b: {  	v13 =	vld [tilespmem:s19+$0x1A800]  }
0x2c: {  	v14 =	vld [tilespmem:s19+$0x1AB80]  }
0x2d: {  	v15 =	vld [tilespmem:s19+$0x1A300]  }
0x2e: {  	v16 =	vld [tilespmem:s19+$0x1AA80]  }
0x2f: {  	v17 =	vld [tilespmem:s19+$0x1A200]  }
0x30: {  	v18 =	vld [tilespmem:s19+$0x1A980]  }
0x31: {  	v19 =	vld [tilespmem:s19+$0x1A100]  }
0x32: {  	v20 =	vld [tilespmem:s19+$0x1A880]  }
0x33: {  	v21 =	vld [tilespmem:s19+$0x1A000]  }
0x34: {  	v22 =	vld [tilespmem:s19+$0x1A380]  }
0x35: {  	v23 =	vld [tilespmem:s19+$0x19B00]  }
0x36: {  	v24 =	vld [tilespmem:s19+$0x1A280]  }
0x37: {  	v25 =	vld [tilespmem:s19+$0x19A00]  }
0x38: {  	v26 =	vld [tilespmem:s19+$0x1A180]  }
0x39: {  	v27 =	vld [tilespmem:s19+$0x19900]  }
0x3a: {  	v28 =	vld [tilespmem:s19+$0x1A080]  }
0x3b: {  	v29 =	vld [tilespmem:s19+$0x19B80]  }
0x3c: {  	v30 =	vld [tilespmem:s19+$0x19800]  }
0x3d: {  	v31 =	vld [tilespmem:s19+$0x19A80]  }
0x3e: {  	v32 =	vld [tilespmem:s19+$0x19300]  }
0x3f: {  	v33 =	vld [tilespmem:s19+$0x19200]  }
0x40: {  	v34 =	vld [tilespmem:s19+$0x19980]  }
0x41: {  	v35 =	vld [tilespmem:s19+$0x19100]  }
0x42: {  	v36 =	vld [tilespmem:s19+$0x19000]  }
0x43: {  	v37 =	vld [tilespmem:s19+$0x19880]  }
0x44: {  	v38 =	vld [tilespmem:s19+$0x19380]  }
0x45: {  	v39 =	vld [tilespmem:s19+$0x19280]  }
0x46: {  	v40 =	vld [tilespmem:s19+$0x19180]  }
0x47: {  	v41 =	vld [tilespmem:s19+$0x19080]  }
0x48: {  	v42 =	vld [tilespmem:s19+$0x18900]  }
0x49: {  	v43 =	vld [tilespmem:s19+$0x18B00]  }
0x4a: {  	v44 =	vld [tilespmem:s19+$0x18980]  }
0x4b: {  	v45 =	vld [tilespmem:s19+$0x18800]  }
0x4c: {  	v46 =	vld [tilespmem:s19+$0x18A00]  }
0x4d: {  	v47 =	vld [tilespmem:s19+$0x18880]  }
0x4e: {  	v48 =	vld [tilespmem:s19+$0x18A80]  }
0x4f: {  	v49 =	vld [tilespmem:s19+$0x18B80]  }
0x50: {  	v0 =	vld.idx.msk [tilespmem:v0+s3+$0x0], $0xffff  }
0x51: {  	v1 =	vld.idx.msk [tilespmem:v1+s3+$0x0], $0xffff  }
0x52: {  	v2 =	vld.idx.msk [tilespmem:v2+s3+$0x0], $0xffff  }
0x53: {  	v3 =	vld.idx.msk [tilespmem:v3+s3+$0x0], $0xffff  }
0x54: {  	v5 =	vld.idx.msk [tilespmem:v5+s3+$0x0], $0xffff  }
0x55: {  	v7 =	vld.idx.msk [tilespmem:v7+s3+$0x0], $0xffff  }
0x56: {  	v9 =	vld.idx.msk [tilespmem:v9+s3+$0x0], $0xffff  }
0x57: {  	v11 =	vld.idx.msk [tilespmem:v11+s3+$0x0], $0xffff  }
0x58: {  	v13 =	vld.idx.msk [tilespmem:v13+s3+$0x0], $0xffff  }
0x59: {  	v15 =	vld.idx.msk [tilespmem:v15+s3+$0x0], $0xffff  }
0x5a: {  	v17 =	vld.idx.msk [tilespmem:v17+s3+$0x0], $0xffff  }
0x5b: {  	v19 =	vld.idx.msk [tilespmem:v19+s3+$0x0], $0xffff  }
0x5c: {  	v21 =	vld.idx.msk [tilespmem:v21+s3+$0x0], $0xffff  }
0x5d: {  	v23 =	vld.idx.msk [tilespmem:v23+s3+$0x0], $0xffff  }
0x5e: {  	v25 =	vld.idx.msk [tilespmem:v25+s3+$0x0], $0xffff  }
0x5f: {  	v27 =	vld.idx.msk [tilespmem:v27+s3+$0x0], $0xffff  }
0x60: {  	v30 =	vld.idx.msk [tilespmem:v30+s3+$0x0], $0xffff  }
0x61: {  	v32 =	vld.idx.msk [tilespmem:v32+s3+$0x0], $0xffff  }
0x62: {  	v33 =	vld.idx.msk [tilespmem:v33+s3+$0x0], $0xffff  }
0x63: {  	v35 =	vld.idx.msk [tilespmem:v35+s3+$0x0], $0xffff  }
0x64: {  	v36 =	vld.idx.msk [tilespmem:v36+s3+$0x0], $0xffff  }
0x65: {  	v42 =	vld.idx.msk [tilespmem:v42+s3+$0x0], $0xffff  }
0x66: {  	v43 =	vld.idx.msk [tilespmem:v43+s3+$0x0], $0xffff  }
0x67: {  	v44 =	vld.idx.msk [tilespmem:v44+s3+$0x0], $0xffff  }
0x68: {  	v45 =	vld.idx.msk [tilespmem:v45+s3+$0x0], $0xffff  }
0x69: {  	v46 =	vld.idx.msk [tilespmem:v46+s3+$0x0], $0xffff  }
0x6a: {  	v47 =	vld.idx.msk [tilespmem:v47+s3+$0x0], $0xffff  }
0x6b: {  	v48 =	vld.idx.msk [tilespmem:v48+s3+$0x0], $0xffff  }
0x6c: {  	v49 =	vld.idx.msk [tilespmem:v49+s3+$0x0], $0xffff  }
0x6d: {  	v41 =	vld.idx.msk [tilespmem:v41+s3+$0x0], $0xffff  }
0x6e: {  	v40 =	vld.idx.msk [tilespmem:v40+s3+$0x0], $0xffff  }
0x6f: {  	v39 =	vld.idx.msk [tilespmem:v39+s3+$0x0], $0xffff  }
0x70: {  	v38 =	vld.idx.msk [tilespmem:v38+s3+$0x0], $0xffff;
	v45 =	vadd.f32 v46, v45;
	v54 =	vadd.f32 v48, v47  }
0x71: {  	v37 =	vld.idx.msk [tilespmem:v37+s3+$0x0], $0xffff;
	v42 =	vadd.f32 v43, v42;
	v55 =	vadd.f32 v49, v44  }
0x72: {  	v34 =	vld.idx.msk [tilespmem:v34+s3+$0x0], $0xffff;
	v36 =	vadd.f32 v36, v45;
	v41 =	vadd.f32 v41, v54  }
0x73: {  	v31 =	vld.idx.msk [tilespmem:v31+s3+$0x0], $0xffff;
	v35 =	vadd.f32 v35, v42;
	v40 =	vadd.f32 v40, v55  }
0x74: {  	v29 =	vld.idx.msk [tilespmem:v29+s3+$0x0], $0xffff;
	v33 =	vadd.f32 v33, v36;
	v56 =	vadd.f32 v39, v41  }
0x75: {  	v28 =	vld.idx.msk [tilespmem:v28+s3+$0x0], $0xffff;
	v32 =	vadd.f32 v32, v35;
	v57 =	vadd.f32 v38, v40  }
0x76: {  	v26 =	vld.idx.msk [tilespmem:v26+s3+$0x0], $0xffff;
	v30 =	vadd.f32 v30, v33;
	v58 =	vadd.f32 v37, v56  }
0x77: {  	v24 =	vld.idx.msk [tilespmem:v24+s3+$0x0], $0xffff;
	v27 =	vadd.f32 v27, v32;
	v59 =	vadd.f32 v34, v57  }
0x78: {  	v22 =	vld.idx.msk [tilespmem:v22+s3+$0x0], $0xffff;
	v25 =	vadd.f32 v25, v30;
	v30 =	vadd.f32 v31, v58  }
0x79: {  	v20 =	vld.idx.msk [tilespmem:v20+s3+$0x0], $0xffff;
	v23 =	vadd.f32 v23, v27;
	v27 =	vadd.f32 v29, v59  }
0x7a: {  	v18 =	vld.idx.msk [tilespmem:v18+s3+$0x0], $0xffff;
	v21 =	vadd.f32 v21, v25;
	v25 =	vadd.f32 v28, v30  }
0x7b: {  	v16 =	vld.idx.msk [tilespmem:v16+s3+$0x0], $0xffff;
	v19 =	vadd.f32 v19, v23;
	v23 =	vadd.f32 v26, v27  }
0x7c: {  	v14 =	vld.idx.msk [tilespmem:v14+s3+$0x0], $0xffff;
	v17 =	vadd.f32 v17, v21;
	v21 =	vadd.f32 v24, v25  }
0x7d: {  	v12 =	vld.idx.msk [tilespmem:v12+s3+$0x0], $0xffff;
	v15 =	vadd.f32 v15, v19;
	v19 =	vadd.f32 v22, v23  }
0x7e: {  	v10 =	vld.idx.msk [tilespmem:v10+s3+$0x0], $0xffff;
	v13 =	vadd.f32 v13, v17;
	v17 =	vadd.f32 v20, v21  }
0x7f: {  	v8 =	vld.idx.msk [tilespmem:v8+s3+$0x0], $0xffff;
	v11 =	vadd.f32 v11, v15;
	v15 =	vadd.f32 v18, v19  }
0x80: {  	v6 =	vld.idx.msk [tilespmem:v6+s3+$0x0], $0xffff;
	v9 =	vadd.f32 v9, v13;
	v13 =	vadd.f32 v16, v17  }
0x81: {  	v4 =	vld.idx.msk [tilespmem:v4+s3+$0x0], $0xffff;
	v7 =	vadd.f32 v7, v11;
	v11 =	vadd.f32 v14, v15  }
0x82: {  	v5 =	vadd.f32 v5, v9;
	v9 =	vadd.f32 v12, v13  }
0x83: {  	v3 =	vadd.f32 v3, v7;
	v7 =	vadd.f32 v10, v11  }
0x84: {  	v2 =	vadd.f32 v2, v5;
	v5 =	vadd.f32 v8, v9  }
0x85: {  	v1 =	vadd.f32 v1, v3;
	v3 =	vadd.f32 v6, v7  }
0x86: {  	v0 =	vadd.f32 v0, v2;
	v2 =	vadd.f32 v4, v5;
	_ =	sdelay $0x1  }
0x87: {  	v1 =	vadd.f32 v3, v1;
	v0 =	vadd.f32 v2, v0;
	_ =	sdelay $0x1  }
0x88: {  	s31 =	simm.s32 $0x10;
	s20 =	simm.s32 $0x80;
	v0 =	vadd.f32 v0, v1  }
0x89: {  	s21 =	sand.u32 $0x400, s20;
	s19 =	sand.u32 $0x70, s31  }
0x8a: {  	s22 =	sor.u32 s19, s21;
	[tilespmem:s17+$0x0] =	vst v0  }
0x8b: {  	v0 =	vld [tilespmem:s22+$0x1B800]  }
0x8c: {  	v1 =	vld [tilespmem:s22+$0x1B300]  }
0x8d: {  	v2 =	vld [tilespmem:s22+$0x1B200]  }
0x8e: {  	v4 =	vld [tilespmem:s22+$0x1B100]  }
0x8f: {  	v3 =	vld [tilespmem:s22+$0x1B880]  }
0x90: {  	v6 =	vld [tilespmem:s22+$0x1B000]  }
0x91: {  	v5 =	vld [tilespmem:s22+$0x1B380]  }
0x92: {  	v8 =	vld [tilespmem:s22+$0x1AB00]  }
0x93: {  	v7 =	vld [tilespmem:s22+$0x1B280]  }
0x94: {  	v10 =	vld [tilespmem:s22+$0x1AA00]  }
0x95: {  	v9 =	vld [tilespmem:s22+$0x1B180]  }
0x96: {  	v12 =	vld [tilespmem:s22+$0x1A900]  }
0x97: {  	v11 =	vld [tilespmem:s22+$0x1B080]  }
0x98: {  	v14 =	vld [tilespmem:s22+$0x1A800]  }
0x99: {  	v13 =	vld [tilespmem:s22+$0x1AB80]  }
0x9a: {  	v16 =	vld [tilespmem:s22+$0x1A300]  }
0x9b: {  	v15 =	vld [tilespmem:s22+$0x1AA80]  }
0x9c: {  	v18 =	vld [tilespmem:s22+$0x1A200]  }
0x9d: {  	v17 =	vld [tilespmem:s22+$0x1A980]  }
0x9e: {  	v20 =	vld [tilespmem:s22+$0x1A100]  }
0x9f: {  	v19 =	vld [tilespmem:s22+$0x1A880]  }
0xa0: {  	v22 =	vld [tilespmem:s22+$0x1A000]  }
0xa1: {  	v21 =	vld [tilespmem:s22+$0x1A380]  }
0xa2: {  	v24 =	vld [tilespmem:s22+$0x19B00]  }
0xa3: {  	v23 =	vld [tilespmem:s22+$0x1A280]  }
0xa4: {  	v26 =	vld [tilespmem:s22+$0x19A00]  }
0xa5: {  	v25 =	vld [tilespmem:s22+$0x1A180]  }
0xa6: {  	v28 =	vld [tilespmem:s22+$0x19900]  }
0xa7: {  	v27 =	vld [tilespmem:s22+$0x1A080]  }
0xa8: {  	v29 =	vld [tilespmem:s22+$0x19B80]  }
0xa9: {  	v30 =	vld [tilespmem:s22+$0x19800]  }
0xaa: {  	v31 =	vld [tilespmem:s22+$0x19A80]  }
0xab: {  	v60 =	vld [tilespmem:s22+$0x19300]  }
0xac: {  	v61 =	vld [tilespmem:s22+$0x19200]  }
0xad: {  	v33 =	vld [tilespmem:s22+$0x19980]  }
0xae: {  	v62 =	vld [tilespmem:s22+$0x19100]  }
0xaf: {  	v63 =	vld [tilespmem:s22+$0x19000]  }
0xb0: {  	v36 =	vld [tilespmem:s22+$0x19880]  }
0xb1: {  	v38 =	vld [tilespmem:s22+$0x19380]  }
0xb2: {  	v39 =	vld [tilespmem:s22+$0x19280]  }
0xb3: {  	v40 =	vld [tilespmem:s22+$0x19180]  }
0xb4: {  	v41 =	vld [tilespmem:s22+$0x19080]  }
0xb5: {  	v42 =	vld [tilespmem:s22+$0x18900]  }
0xb6: {  	v43 =	vld [tilespmem:s22+$0x18B00]  }
0xb7: {  	v44 =	vld [tilespmem:s22+$0x18980]  }
0xb8: {  	v45 =	vld [tilespmem:s22+$0x18800]  }
0xb9: {  	v46 =	vld [tilespmem:s22+$0x18A00]  }
0xba: {  	v0 =	vld.idx.msk [tilespmem:v0+s3+$0x0], $0xffff  }
0xbb: {  	v1 =	vld.idx.msk [tilespmem:v1+s3+$0x0], $0xffff  }
0xbc: {  	v2 =	vld.idx.msk [tilespmem:v2+s3+$0x0], $0xffff  }
0xbd: {  	v4 =	vld.idx.msk [tilespmem:v4+s3+$0x0], $0xffff  }
0xbe: {  	v6 =	vld.idx.msk [tilespmem:v6+s3+$0x0], $0xffff  }
0xbf: {  	v8 =	vld.idx.msk [tilespmem:v8+s3+$0x0], $0xffff  }
0xc0: {  	v10 =	vld.idx.msk [tilespmem:v10+s3+$0x0], $0xffff  }
0xc1: {  	v12 =	vld.idx.msk [tilespmem:v12+s3+$0x0], $0xffff  }
0xc2: {  	v14 =	vld.idx.msk [tilespmem:v14+s3+$0x0], $0xffff  }
0xc3: {  	v16 =	vld.idx.msk [tilespmem:v16+s3+$0x0], $0xffff  }
0xc4: {  	v18 =	vld.idx.msk [tilespmem:v18+s3+$0x0], $0xffff  }
0xc5: {  	v20 =	vld.idx.msk [tilespmem:v20+s3+$0x0], $0xffff  }
0xc6: {  	v22 =	vld.idx.msk [tilespmem:v22+s3+$0x0], $0xffff  }
0xc7: {  	v24 =	vld.idx.msk [tilespmem:v24+s3+$0x0], $0xffff  }
0xc8: {  	v26 =	vld.idx.msk [tilespmem:v26+s3+$0x0], $0xffff  }
0xc9: {  	v28 =	vld.idx.msk [tilespmem:v28+s3+$0x0], $0xffff  }
0xca: {  	v30 =	vld.idx.msk [tilespmem:v30+s3+$0x0], $0xffff  }
0xcb: {  	v32 =	vld.idx.msk [tilespmem:v60+s3+$0x0], $0xffff  }
0xcc: {  	v34 =	vld.idx.msk [tilespmem:v61+s3+$0x0], $0xffff  }
0xcd: {  	v35 =	vld.idx.msk [tilespmem:v62+s3+$0x0], $0xffff  }
0xce: {  	s21 =	simm.s32 $0x20;
	s19 =	simm.s32 $0x1C000;
	v37 =	vld.idx.msk [tilespmem:v63+s3+$0x0], $0xffff  }
.LBB2_2:
0xcf: {  	p0 =	sne.s32 s21, $0xF0;
	v47 =	vld [tilespmem:s22+$0x18880]  }
0xd0: {  	v48 =	vld [tilespmem:s22+$0x18A80]  }
0xd1: {  	v49 =	vld [tilespmem:s22+$0x18B80]  }
0xd2: {  	v42 =	vld.idx.msk [tilespmem:v42+s3+$0x0], $0xffff  }
0xd3: {  	v43 =	vld.idx.msk [tilespmem:v43+s3+$0x0], $0xffff  }
0xd4: {  	v44 =	vld.idx.msk [tilespmem:v44+s3+$0x0], $0xffff  }
0xd5: {  	v45 =	vld.idx.msk [tilespmem:v45+s3+$0x0], $0xffff  }
0xd6: {  	v46 =	vld.idx.msk [tilespmem:v46+s3+$0x0], $0xffff  }
0xd7: {  	v47 =	vld.idx.msk [tilespmem:v47+s3+$0x0], $0xffff  }
0xd8: {  	v48 =	vld.idx.msk [tilespmem:v48+s3+$0x0], $0xffff  }
0xd9: {  	v49 =	vld.idx.msk [tilespmem:v49+s3+$0x0], $0xffff  }
0xda: {  	v41 =	vld.idx.msk [tilespmem:v41+s3+$0x0], $0xffff  }
0xdb: {  	v40 =	vld.idx.msk [tilespmem:v40+s3+$0x0], $0xffff  }
0xdc: {  	v39 =	vld.idx.msk [tilespmem:v39+s3+$0x0], $0xffff  }
0xdd: {  	v38 =	vld.idx.msk [tilespmem:v38+s3+$0x0], $0xffff  }
0xde: {  	v45 =	vadd.f32 v46, v45;
	v46 =	vadd.f32 v48, v47;
	v36 =	vld.idx.msk [tilespmem:v36+s3+$0x0], $0xffff  }
0xdf: {  	v42 =	vadd.f32 v43, v42;
	v43 =	vadd.f32 v49, v44;
	v33 =	vld.idx.msk [tilespmem:v33+s3+$0x0], $0xffff  }
0xe0: {  	v37 =	vadd.f32 v37, v45;
	v41 =	vadd.f32 v41, v46;
	v31 =	vld.idx.msk [tilespmem:v31+s3+$0x0], $0xffff  }
0xe1: {  	v35 =	vadd.f32 v35, v42;
	v40 =	vadd.f32 v40, v43;
	v29 =	vld.idx.msk [tilespmem:v29+s3+$0x0], $0xffff  }
0xe2: {  	v34 =	vadd.f32 v34, v37;
	v37 =	vadd.f32 v39, v41;
	v27 =	vld.idx.msk [tilespmem:v27+s3+$0x0], $0xffff  }
0xe3: {  	v32 =	vadd.f32 v32, v35;
	v35 =	vadd.f32 v38, v40;
	v25 =	vld.idx.msk [tilespmem:v25+s3+$0x0], $0xffff  }
0xe4: {  	v30 =	vadd.f32 v30, v34;
	v34 =	vadd.f32 v36, v37;
	v23 =	vld.idx.msk [tilespmem:v23+s3+$0x0], $0xffff  }
0xe5: {  	v28 =	vadd.f32 v28, v32;
	v32 =	vadd.f32 v33, v35;
	v21 =	vld.idx.msk [tilespmem:v21+s3+$0x0], $0xffff  }
0xe6: {  	v26 =	vadd.f32 v26, v30;
	v30 =	vadd.f32 v31, v34;
	v19 =	vld.idx.msk [tilespmem:v19+s3+$0x0], $0xffff  }
0xe7: {  	v24 =	vadd.f32 v24, v28;
	v28 =	vadd.f32 v29, v32;
	v17 =	vld.idx.msk [tilespmem:v17+s3+$0x0], $0xffff  }
0xe8: {  	v22 =	vadd.f32 v22, v26;
	v26 =	vadd.f32 v27, v30;
	v15 =	vld.idx.msk [tilespmem:v15+s3+$0x0], $0xffff  }
0xe9: {  	v20 =	vadd.f32 v20, v24;
	v24 =	vadd.f32 v25, v28;
	v13 =	vld.idx.msk [tilespmem:v13+s3+$0x0], $0xffff  }
0xea: {  	v18 =	vadd.f32 v18, v22;
	v22 =	vadd.f32 v23, v26;
	v11 =	vld.idx.msk [tilespmem:v11+s3+$0x0], $0xffff  }
0xeb: {  	v16 =	vadd.f32 v16, v20;
	v20 =	vadd.f32 v21, v24;
	v9 =	vld.idx.msk [tilespmem:v9+s3+$0x0], $0xffff  }
0xec: {  	v14 =	vadd.f32 v14, v18;
	v18 =	vadd.f32 v19, v22;
	v7 =	vld.idx.msk [tilespmem:v7+s3+$0x0], $0xffff  }
0xed: {  	v12 =	vadd.f32 v12, v16;
	v16 =	vadd.f32 v17, v20;
	v5 =	vld.idx.msk [tilespmem:v5+s3+$0x0], $0xffff  }
0xee: {  	v10 =	vadd.f32 v10, v14;
	v14 =	vadd.f32 v15, v18;
	v3 =	vld.idx.msk [tilespmem:v3+s3+$0x0], $0xffff  }
0xef: {  	v8 =	vadd.f32 v8, v12;
	v12 =	vadd.f32 v13, v16  }
0xf0: {  	v6 =	vadd.f32 v6, v10;
	v10 =	vadd.f32 v11, v14  }
0xf1: {  	v4 =	vadd.f32 v4, v8;
	v8 =	vadd.f32 v9, v12  }
0xf2: {  	v2 =	vadd.f32 v2, v6;
	v6 =	vadd.f32 v7, v10  }
0xf3: {  	v1 =	vadd.f32 v1, v4;
	v4 =	vadd.f32 v5, v8  }
0xf4: {  	v0 =	vadd.f32 v0, v2;
	v2 =	vadd.f32 v3, v6;
	_ =	sdelay $0x1  }
0xf5: {  	v1 =	vadd.f32 v4, v1;
	v0 =	vadd.f32 v2, v0;
	_ =	sdelay $0x1  }
0xf6: {  	s20 =	sadd.s32 $0x80, s20;
	v0 =	vadd.f32 v0, v1  }
0xf7: {  	s19 =	sadd.s32 $0x10, s19;
	s23 =	sand.u32 $0x400, s20;
	s22 =	sand.u32 $0x70, s21  }
0xf8: {  	s22 =	sor.u32 s22, s23;
	[tilespmem:s19+$0x0] =	vst v0  }
0xf9: {  	v0 =	vld [tilespmem:s22+$0x1B800];
	_ =	sdelay $0x2  }
0xfa: {  	v1 =	vld [tilespmem:s22+$0x1B300];
	_ =	sdelay $0x2  }
0xfb: {  	v2 =	vld [tilespmem:s22+$0x1B200];
	_ =	sdelay $0x1  }
0xfc: {  	v0 =	vld.idx.msk [tilespmem:v0+s3+$0x0], $0xffff  }
0xfd: {  	v4 =	vld [tilespmem:s22+$0x1B100]  }
0xfe: {  	v3 =	vld [tilespmem:s22+$0x1B880]  }
0xff: {  	v1 =	vld.idx.msk [tilespmem:v1+s3+$0x0], $0xffff  }
0x100: {  	v6 =	vld [tilespmem:s22+$0x1B000]  }
0x101: {  	v5 =	vld [tilespmem:s22+$0x1B380]  }
0x102: {  	v2 =	vld.idx.msk [tilespmem:v2+s3+$0x0], $0xffff  }
0x103: {  	v8 =	vld [tilespmem:s22+$0x1AB00]  }
0x104: {  	v7 =	vld [tilespmem:s22+$0x1B280]  }
0x105: {  	v4 =	vld.idx.msk [tilespmem:v4+s3+$0x0], $0xffff  }
0x106: {  	v10 =	vld [tilespmem:s22+$0x1AA00]  }
0x107: {  	v9 =	vld [tilespmem:s22+$0x1B180]  }
0x108: {  	v6 =	vld.idx.msk [tilespmem:v6+s3+$0x0], $0xffff  }
0x109: {  	v12 =	vld [tilespmem:s22+$0x1A900]  }
0x10a: {  	v11 =	vld [tilespmem:s22+$0x1B080]  }
0x10b: {  	v8 =	vld.idx.msk [tilespmem:v8+s3+$0x0], $0xffff  }
0x10c: {  	v14 =	vld [tilespmem:s22+$0x1A800]  }
0x10d: {  	v13 =	vld [tilespmem:s22+$0x1AB80]  }
0x10e: {  	v10 =	vld.idx.msk [tilespmem:v10+s3+$0x0], $0xffff  }
0x10f: {  	v16 =	vld [tilespmem:s22+$0x1A300]  }
0x110: {  	v15 =	vld [tilespmem:s22+$0x1AA80]  }
0x111: {  	v12 =	vld.idx.msk [tilespmem:v12+s3+$0x0], $0xffff  }
0x112: {  	v18 =	vld [tilespmem:s22+$0x1A200]  }
0x113: {  	v17 =	vld [tilespmem:s22+$0x1A980]  }
0x114: {  	v14 =	vld.idx.msk [tilespmem:v14+s3+$0x0], $0xffff  }
0x115: {  	v20 =	vld [tilespmem:s22+$0x1A100]  }
0x116: {  	v19 =	vld [tilespmem:s22+$0x1A880]  }
0x117: {  	v16 =	vld.idx.msk [tilespmem:v16+s3+$0x0], $0xffff  }
0x118: {  	v22 =	vld [tilespmem:s22+$0x1A000]  }
0x119: {  	v21 =	vld [tilespmem:s22+$0x1A380]  }
0x11a: {  	v18 =	vld.idx.msk [tilespmem:v18+s3+$0x0], $0xffff  }
0x11b: {  	v24 =	vld [tilespmem:s22+$0x19B00]  }
0x11c: {  	v23 =	vld [tilespmem:s22+$0x1A280]  }
0x11d: {  	v20 =	vld.idx.msk [tilespmem:v20+s3+$0x0], $0xffff  }
0x11e: {  	v26 =	vld [tilespmem:s22+$0x19A00]  }
0x11f: {  	v25 =	vld [tilespmem:s22+$0x1A180]  }
0x120: {  	v22 =	vld.idx.msk [tilespmem:v22+s3+$0x0], $0xffff  }
0x121: {  	v28 =	vld [tilespmem:s22+$0x19900]  }
0x122: {  	v27 =	vld [tilespmem:s22+$0x1A080]  }
0x123: {  	v24 =	vld.idx.msk [tilespmem:v24+s3+$0x0], $0xffff  }
0x124: {  	v29 =	vld [tilespmem:s22+$0x19B80]  }
0x125: {  	v30 =	vld [tilespmem:s22+$0x19800]  }
0x126: {  	v26 =	vld.idx.msk [tilespmem:v26+s3+$0x0], $0xffff  }
0x127: {  	v31 =	vld [tilespmem:s22+$0x19A80]  }
0x128: {  	v32 =	vld [tilespmem:s22+$0x19300]  }
0x129: {  	v28 =	vld.idx.msk [tilespmem:v28+s3+$0x0], $0xffff  }
0x12a: {  	v34 =	vld [tilespmem:s22+$0x19200]  }
0x12b: {  	v33 =	vld [tilespmem:s22+$0x19980]  }
0x12c: {  	v35 =	vld [tilespmem:s22+$0x19100]  }
0x12d: {  	v30 =	vld.idx.msk [tilespmem:v30+s3+$0x0], $0xffff  }
0x12e: {  	v37 =	vld [tilespmem:s22+$0x19000]  }
0x12f: {  	v36 =	vld [tilespmem:s22+$0x19880]  }
0x130: {  	v32 =	vld.idx.msk [tilespmem:v32+s3+$0x0], $0xffff  }
0x131: {  	v38 =	vld [tilespmem:s22+$0x19380]  }
0x132: {  	v34 =	vld.idx.msk [tilespmem:v34+s3+$0x0], $0xffff  }
0x133: {  	v39 =	vld [tilespmem:s22+$0x19280]  }
0x134: {  	v35 =	vld.idx.msk [tilespmem:v35+s3+$0x0], $0xffff  }
0x135: {  	v40 =	vld [tilespmem:s22+$0x19180]  }
0x136: {  	v37 =	vld.idx.msk [tilespmem:v37+s3+$0x0], $0xffff  }
0x137: {  	v41 =	vld [tilespmem:s22+$0x19080]  }
.Ltmp0:
0x138: {  	v42 =	vld [tilespmem:s22+$0x18900];
	(pc) =	sbr.rel @p0 .LBB2_2-.Ltmp0, $4  }
0x139: {  	v43 =	vld [tilespmem:s22+$0x18B00]  }
0x13a: {  	v44 =	vld [tilespmem:s22+$0x18980]  }
0x13b: {  	v45 =	vld [tilespmem:s22+$0x18800]  }
0x13c: {  	s21 =	sadd.s32 $0x10, s21;
	v46 =	vld [tilespmem:s22+$0x18A00]  }
0x13d: {  	_ = 	snop  }
0x13e: {  	v47 =	vld [tilespmem:s22+$0x18880]  }
0x13f: {  	v48 =	vld [tilespmem:s22+$0x18A80]  }
0x140: {  	v49 =	vld [tilespmem:s22+$0x18B80]  }
0x141: {  	v42 =	vld.idx.msk [tilespmem:v42+s3+$0x0], $0xffff  }
0x142: {  	v41 =	vld.idx.msk [tilespmem:v41+s3+$0x0], $0xffff  }
0x143: {  	v43 =	vld.idx.msk [tilespmem:v43+s3+$0x0], $0xffff  }
0x144: {  	v45 =	vld.idx.msk [tilespmem:v45+s3+$0x0], $0xffff  }
0x145: {  	v46 =	vld.idx.msk [tilespmem:v46+s3+$0x0], $0xffff  }
0x146: {  	v47 =	vld.idx.msk [tilespmem:v47+s3+$0x0], $0xffff  }
0x147: {  	v48 =	vld.idx.msk [tilespmem:v48+s3+$0x0], $0xffff  }
0x148: {  	v44 =	vld.idx.msk [tilespmem:v44+s3+$0x0], $0xffff  }
0x149: {  	v49 =	vld.idx.msk [tilespmem:v49+s3+$0x0], $0xffff  }
0x14a: {  	v40 =	vld.idx.msk [tilespmem:v40+s3+$0x0], $0xffff  }
0x14b: {  	v39 =	vld.idx.msk [tilespmem:v39+s3+$0x0], $0xffff;
	v45 =	vadd.f32 v46, v45  }
0x14c: {  	v38 =	vld.idx.msk [tilespmem:v38+s3+$0x0], $0xffff;
	v54 =	vadd.f32 v48, v47  }
0x14d: {  	v36 =	vld.idx.msk [tilespmem:v36+s3+$0x0], $0xffff;
	v42 =	vadd.f32 v43, v42;
	v37 =	vadd.f32 v37, v45  }
0x14e: {  	v33 =	vld.idx.msk [tilespmem:v33+s3+$0x0], $0xffff;
	v55 =	vadd.f32 v49, v44;
	v41 =	vadd.f32 v41, v54  }
0x14f: {  	v31 =	vld.idx.msk [tilespmem:v31+s3+$0x0], $0xffff;
	v35 =	vadd.f32 v35, v42;
	v34 =	vadd.f32 v34, v37  }
0x150: {  	v29 =	vld.idx.msk [tilespmem:v29+s3+$0x0], $0xffff;
	v40 =	vadd.f32 v40, v55;
	v56 =	vadd.f32 v39, v41  }
0x151: {  	v27 =	vld.idx.msk [tilespmem:v27+s3+$0x0], $0xffff;
	v32 =	vadd.f32 v32, v35;
	v30 =	vadd.f32 v30, v34  }
0x152: {  	v25 =	vld.idx.msk [tilespmem:v25+s3+$0x0], $0xffff;
	v57 =	vadd.f32 v38, v40;
	v58 =	vadd.f32 v36, v56  }
0x153: {  	v23 =	vld.idx.msk [tilespmem:v23+s3+$0x0], $0xffff;
	v28 =	vadd.f32 v28, v32;
	v26 =	vadd.f32 v26, v30  }
0x154: {  	v21 =	vld.idx.msk [tilespmem:v21+s3+$0x0], $0xffff;
	v59 =	vadd.f32 v33, v57;
	v30 =	vadd.f32 v31, v58  }
0x155: {  	v19 =	vld.idx.msk [tilespmem:v19+s3+$0x0], $0xffff;
	v24 =	vadd.f32 v24, v28;
	v22 =	vadd.f32 v22, v26  }
0x156: {  	v17 =	vld.idx.msk [tilespmem:v17+s3+$0x0], $0xffff;
	v28 =	vadd.f32 v29, v59;
	v26 =	vadd.f32 v27, v30  }
0x157: {  	v15 =	vld.idx.msk [tilespmem:v15+s3+$0x0], $0xffff;
	v20 =	vadd.f32 v20, v24;
	v18 =	vadd.f32 v18, v22  }
0x158: {  	v13 =	vld.idx.msk [tilespmem:v13+s3+$0x0], $0xffff;
	v24 =	vadd.f32 v25, v28;
	v22 =	vadd.f32 v23, v26  }
0x159: {  	v11 =	vld.idx.msk [tilespmem:v11+s3+$0x0], $0xffff;
	v16 =	vadd.f32 v16, v20;
	v14 =	vadd.f32 v14, v18  }
0x15a: {  	v9 =	vld.idx.msk [tilespmem:v9+s3+$0x0], $0xffff;
	v20 =	vadd.f32 v21, v24;
	v18 =	vadd.f32 v19, v22  }
0x15b: {  	v7 =	vld.idx.msk [tilespmem:v7+s3+$0x0], $0xffff;
	v12 =	vadd.f32 v12, v16;
	v10 =	vadd.f32 v10, v14  }
0x15c: {  	v5 =	vld.idx.msk [tilespmem:v5+s3+$0x0], $0xffff;
	v16 =	vadd.f32 v17, v20;
	v14 =	vadd.f32 v15, v18  }
0x15d: {  	v3 =	vld.idx.msk [tilespmem:v3+s3+$0x0], $0xffff;
	v8 =	vadd.f32 v8, v12;
	v6 =	vadd.f32 v6, v10  }
0x15e: {  	v12 =	vadd.f32 v13, v16;
	v10 =	vadd.f32 v11, v14  }
0x15f: {  	v4 =	vadd.f32 v4, v8;
	v2 =	vadd.f32 v2, v6  }
0x160: {  	v8 =	vadd.f32 v9, v12;
	v6 =	vadd.f32 v7, v10  }
0x161: {  	v1 =	vadd.f32 v1, v4;
	v0 =	vadd.f32 v0, v2  }
0x162: {  	v4 =	vadd.f32 v5, v8;
	v2 =	vadd.f32 v3, v6;
	_ =	sdelay $0x1  }
0x163: {  	v1 =	vadd.f32 v4, v1;
	v0 =	vadd.f32 v2, v0;
	_ =	sdelay $0x1  }
0x164: {  	v0 =	vadd.f32 v0, v1  }
0x165: {  	s19 =	sadd.s32 $0x10, s19  }
0x166: {  	[tilespmem:s19+$0x0] =	vst v0  }
0x167: {  	[tilespmem:s13], [sflag:$0x2] =	stream.strided.gather [hbm4b:s7+s11], $0x3800, s12, s11, $0x38;
	[tilespmem:$0x1DA80] =	vst v63  }
0x168: {  	s19 =	simm.s32 $0x0;
	_ =	swait.ge [sflag:s16], $0x3800  }
0x169: {  	s20 =	sand.u32 $0x70, s19;
	s21 =	sand.u32 $0x400, s19;
	[sflag:s16] =	ssyncset.done $0x0  }
0x16a: {  	s22 =	sor.u32 s20, s21;
	[sflag:s16] =	ssyncadd.s32 $0xFFFFC800  }
0x16b: {  	v0 =	vld [tilespmem:s22+$0x1B800]  }
0x16c: {  	v1 =	vld [tilespmem:s22+$0x1B300]  }
0x16d: {  	v2 =	vld [tilespmem:s22+$0x1B200]  }
0x16e: {  	v4 =	vld [tilespmem:s22+$0x1B100]  }
0x16f: {  	v3 =	vld [tilespmem:s22+$0x1B880]  }
0x170: {  	v6 =	vld [tilespmem:s22+$0x1B000]  }
0x171: {  	v5 =	vld [tilespmem:s22+$0x1B380]  }
0x172: {  	v8 =	vld [tilespmem:s22+$0x1AB00]  }
0x173: {  	v7 =	vld [tilespmem:s22+$0x1B280]  }
0x174: {  	v10 =	vld [tilespmem:s22+$0x1AA00]  }
0x175: {  	v9 =	vld [tilespmem:s22+$0x1B180]  }
0x176: {  	v12 =	vld [tilespmem:s22+$0x1A900]  }
0x177: {  	v11 =	vld [tilespmem:s22+$0x1B080]  }
0x178: {  	v14 =	vld [tilespmem:s22+$0x1A800]  }
0x179: {  	v13 =	vld [tilespmem:s22+$0x1AB80]  }
0x17a: {  	v16 =	vld [tilespmem:s22+$0x1A300]  }
0x17b: {  	v15 =	vld [tilespmem:s22+$0x1AA80]  }
0x17c: {  	v18 =	vld [tilespmem:s22+$0x1A200]  }
0x17d: {  	v17 =	vld [tilespmem:s22+$0x1A980]  }
0x17e: {  	v20 =	vld [tilespmem:s22+$0x1A100]  }
0x17f: {  	v19 =	vld [tilespmem:s22+$0x1A880]  }
0x180: {  	v22 =	vld [tilespmem:s22+$0x1A000]  }
0x181: {  	v21 =	vld [tilespmem:s22+$0x1A380]  }
0x182: {  	v24 =	vld [tilespmem:s22+$0x19B00]  }
0x183: {  	v23 =	vld [tilespmem:s22+$0x1A280]  }
0x184: {  	v26 =	vld [tilespmem:s22+$0x19A00]  }
0x185: {  	v25 =	vld [tilespmem:s22+$0x1A180]  }
0x186: {  	v28 =	vld [tilespmem:s22+$0x19900]  }
0x187: {  	v27 =	vld [tilespmem:s22+$0x1A080]  }
0x188: {  	v29 =	vld [tilespmem:s22+$0x19B80]  }
0x189: {  	v30 =	vld [tilespmem:s22+$0x19800]  }
0x18a: {  	v31 =	vld [tilespmem:s22+$0x19A80]  }
0x18b: {  	v60 =	vld [tilespmem:s22+$0x19300]  }
0x18c: {  	v61 =	vld [tilespmem:s22+$0x19200]  }
0x18d: {  	v33 =	vld [tilespmem:s22+$0x19980]  }
0x18e: {  	v62 =	vld [tilespmem:s22+$0x19100]  }
0x18f: {  	v63 =	vld [tilespmem:s22+$0x19000]  }
0x190: {  	v36 =	vld [tilespmem:s22+$0x19880]  }
0x191: {  	v38 =	vld [tilespmem:s22+$0x19380]  }
0x192: {  	v39 =	vld [tilespmem:s22+$0x19280]  }
0x193: {  	v40 =	vld [tilespmem:s22+$0x19180]  }
0x194: {  	v41 =	vld [tilespmem:s22+$0x19080]  }
0x195: {  	v42 =	vld [tilespmem:s22+$0x18900]  }
0x196: {  	v43 =	vld [tilespmem:s22+$0x18B00]  }
0x197: {  	v44 =	vld [tilespmem:s22+$0x18980]  }
0x198: {  	v45 =	vld [tilespmem:s22+$0x18800]  }
0x199: {  	v46 =	vld [tilespmem:s22+$0x18A00]  }
0x19a: {  	v0 =	vld.idx.msk [tilespmem:v0+s3+$0x0], $0xffff  }
0x19b: {  	v1 =	vld.idx.msk [tilespmem:v1+s3+$0x0], $0xffff  }
0x19c: {  	v2 =	vld.idx.msk [tilespmem:v2+s3+$0x0], $0xffff  }
0x19d: {  	v4 =	vld.idx.msk [tilespmem:v4+s3+$0x0], $0xffff  }
0x19e: {  	v6 =	vld.idx.msk [tilespmem:v6+s3+$0x0], $0xffff  }
0x19f: {  	v8 =	vld.idx.msk [tilespmem:v8+s3+$0x0], $0xffff  }
0x1a0: {  	v10 =	vld.idx.msk [tilespmem:v10+s3+$0x0], $0xffff  }
0x1a1: {  	v12 =	vld.idx.msk [tilespmem:v12+s3+$0x0], $0xffff  }
0x1a2: {  	v14 =	vld.idx.msk [tilespmem:v14+s3+$0x0], $0xffff  }
0x1a3: {  	v16 =	vld.idx.msk [tilespmem:v16+s3+$0x0], $0xffff  }
0x1a4: {  	v18 =	vld.idx.msk [tilespmem:v18+s3+$0x0], $0xffff  }
0x1a5: {  	v20 =	vld.idx.msk [tilespmem:v20+s3+$0x0], $0xffff  }
0x1a6: {  	v22 =	vld.idx.msk [tilespmem:v22+s3+$0x0], $0xffff  }
0x1a7: {  	v24 =	vld.idx.msk [tilespmem:v24+s3+$0x0], $0xffff  }
0x1a8: {  	v26 =	vld.idx.msk [tilespmem:v26+s3+$0x0], $0xffff  }
0x1a9: {  	v28 =	vld.idx.msk [tilespmem:v28+s3+$0x0], $0xffff  }
0x1aa: {  	v30 =	vld.idx.msk [tilespmem:v30+s3+$0x0], $0xffff  }
0x1ab: {  	v32 =	vld.idx.msk [tilespmem:v60+s3+$0x0], $0xffff  }
0x1ac: {  	v34 =	vld.idx.msk [tilespmem:v61+s3+$0x0], $0xffff  }
0x1ad: {  	v35 =	vld.idx.msk [tilespmem:v62+s3+$0x0], $0xffff  }
0x1ae: {  	s21 =	simm.s32 $0x10;
	s20 =	simm.s32 $0x0;
	v37 =	vld.idx.msk [tilespmem:v63+s3+$0x0], $0xffff  }
.LBB2_4:
0x1af: {  	p0 =	sne.s32 s21, $0xF0;
	v47 =	vld [tilespmem:s22+$0x18880];
	s23 =	sor.u32 s20, s19  }
0x1b0: {  	v48 =	vld [tilespmem:s22+$0x18A80];
	s22 =	sor.u32 $0x380, s23  }
0x1b1: {  	v49 =	vld [tilespmem:s22+$0x18800]  }
0x1b2: {  	v42 =	vld.idx.msk [tilespmem:v42+s3+$0x0], $0xffff  }
0x1b3: {  	v43 =	vld.idx.msk [tilespmem:v43+s3+$0x0], $0xffff  }
0x1b4: {  	v44 =	vld.idx.msk [tilespmem:v44+s3+$0x0], $0xffff  }
0x1b5: {  	v45 =	vld.idx.msk [tilespmem:v45+s3+$0x0], $0xffff  }
0x1b6: {  	v46 =	vld.idx.msk [tilespmem:v46+s3+$0x0], $0xffff  }
0x1b7: {  	v47 =	vld.idx.msk [tilespmem:v47+s3+$0x0], $0xffff  }
0x1b8: {  	v48 =	vld.idx.msk [tilespmem:v48+s3+$0x0], $0xffff  }
0x1b9: {  	v49 =	vld.idx.msk [tilespmem:v49+s3+$0x0], $0xffff  }
0x1ba: {  	v41 =	vld.idx.msk [tilespmem:v41+s3+$0x0], $0xffff  }
0x1bb: {  	v40 =	vld.idx.msk [tilespmem:v40+s3+$0x0], $0xffff  }
0x1bc: {  	v39 =	vld.idx.msk [tilespmem:v39+s3+$0x0], $0xffff  }
0x1bd: {  	v38 =	vld.idx.msk [tilespmem:v38+s3+$0x0], $0xffff  }
0x1be: {  	v45 =	vadd.f32 v46, v45;
	v46 =	vadd.f32 v48, v47;
	v36 =	vld.idx.msk [tilespmem:v36+s3+$0x0], $0xffff  }
0x1bf: {  	v42 =	vadd.f32 v43, v42;
	v43 =	vadd.f32 v49, v44;
	v33 =	vld.idx.msk [tilespmem:v33+s3+$0x0], $0xffff  }
0x1c0: {  	v37 =	vadd.f32 v37, v45;
	v41 =	vadd.f32 v41, v46;
	v31 =	vld.idx.msk [tilespmem:v31+s3+$0x0], $0xffff  }
0x1c1: {  	v35 =	vadd.f32 v35, v42;
	v40 =	vadd.f32 v40, v43;
	v29 =	vld.idx.msk [tilespmem:v29+s3+$0x0], $0xffff  }
0x1c2: {  	v34 =	vadd.f32 v34, v37;
	v37 =	vadd.f32 v39, v41;
	v27 =	vld.idx.msk [tilespmem:v27+s3+$0x0], $0xffff  }
0x1c3: {  	v32 =	vadd.f32 v32, v35;
	v35 =	vadd.f32 v38, v40;
	v25 =	vld.idx.msk [tilespmem:v25+s3+$0x0], $0xffff  }
0x1c4: {  	v30 =	vadd.f32 v30, v34;
	v34 =	vadd.f32 v36, v37;
	v23 =	vld.idx.msk [tilespmem:v23+s3+$0x0], $0xffff  }
0x1c5: {  	v28 =	vadd.f32 v28, v32;
	v32 =	vadd.f32 v33, v35;
	v21 =	vld.idx.msk [tilespmem:v21+s3+$0x0], $0xffff  }
0x1c6: {  	v26 =	vadd.f32 v26, v30;
	v30 =	vadd.f32 v31, v34;
	v19 =	vld.idx.msk [tilespmem:v19+s3+$0x0], $0xffff  }
0x1c7: {  	v24 =	vadd.f32 v24, v28;
	v28 =	vadd.f32 v29, v32;
	v17 =	vld.idx.msk [tilespmem:v17+s3+$0x0], $0xffff  }
0x1c8: {  	v22 =	vadd.f32 v22, v26;
	v26 =	vadd.f32 v27, v30;
	v15 =	vld.idx.msk [tilespmem:v15+s3+$0x0], $0xffff  }
0x1c9: {  	v20 =	vadd.f32 v20, v24;
	v24 =	vadd.f32 v25, v28;
	v13 =	vld.idx.msk [tilespmem:v13+s3+$0x0], $0xffff  }
0x1ca: {  	v18 =	vadd.f32 v18, v22;
	v22 =	vadd.f32 v23, v26;
	v11 =	vld.idx.msk [tilespmem:v11+s3+$0x0], $0xffff  }
0x1cb: {  	v16 =	vadd.f32 v16, v20;
	v20 =	vadd.f32 v21, v24;
	v9 =	vld.idx.msk [tilespmem:v9+s3+$0x0], $0xffff  }
0x1cc: {  	v14 =	vadd.f32 v14, v18;
	v18 =	vadd.f32 v19, v22;
	v7 =	vld.idx.msk [tilespmem:v7+s3+$0x0], $0xffff  }
0x1cd: {  	v12 =	vadd.f32 v12, v16;
	v16 =	vadd.f32 v17, v20;
	v5 =	vld.idx.msk [tilespmem:v5+s3+$0x0], $0xffff  }
0x1ce: {  	v10 =	vadd.f32 v10, v14;
	v14 =	vadd.f32 v15, v18;
	v3 =	vld.idx.msk [tilespmem:v3+s3+$0x0], $0xffff  }
0x1cf: {  	v8 =	vadd.f32 v8, v12;
	v12 =	vadd.f32 v13, v16  }
0x1d0: {  	v6 =	vadd.f32 v6, v10;
	v10 =	vadd.f32 v11, v14  }
0x1d1: {  	v4 =	vadd.f32 v4, v8;
	v8 =	vadd.f32 v9, v12  }
0x1d2: {  	v2 =	vadd.f32 v2, v6;
	v6 =	vadd.f32 v7, v10  }
0x1d3: {  	v1 =	vadd.f32 v1, v4;
	v4 =	vadd.f32 v5, v8  }
0x1d4: {  	v0 =	vadd.f32 v0, v2;
	v2 =	vadd.f32 v3, v6;
	_ =	sdelay $0x1  }
0x1d5: {  	v1 =	vadd.f32 v4, v1;
	v0 =	vadd.f32 v2, v0;
	_ =	sdelay $0x1  }
0x1d6: {  	s20 =	sadd.s32 $0x80, s20;
	v0 =	vadd.f32 v0, v1  }
0x1d7: {  	s19 =	sand.u32 $0xF0, s19;
	s23 =	sand.u32 $0x400, s20;
	s22 =	sand.u32 $0x70, s21  }
0x1d8: {  	s22 =	sor.u32 s22, s23;
	[tilespmem:s19+$0x1C100] =	vst v0;
	s19 =	smov.u32 s21  }
0x1d9: {  	v0 =	vld [tilespmem:s22+$0x1B800];
	_ =	sdelay $0x2  }
0x1da: {  	v1 =	vld [tilespmem:s22+$0x1B300];
	_ =	sdelay $0x2  }
0x1db: {  	v2 =	vld [tilespmem:s22+$0x1B200];
	_ =	sdelay $0x1  }
0x1dc: {  	v0 =	vld.idx.msk [tilespmem:v0+s3+$0x0], $0xffff  }
0x1dd: {  	v4 =	vld [tilespmem:s22+$0x1B100]  }
0x1de: {  	v3 =	vld [tilespmem:s22+$0x1B880]  }
0x1df: {  	v1 =	vld.idx.msk [tilespmem:v1+s3+$0x0], $0xffff  }
0x1e0: {  	v6 =	vld [tilespmem:s22+$0x1B000]  }
0x1e1: {  	v5 =	vld [tilespmem:s22+$0x1B380]  }
0x1e2: {  	v2 =	vld.idx.msk [tilespmem:v2+s3+$0x0], $0xffff  }
0x1e3: {  	v8 =	vld [tilespmem:s22+$0x1AB00]  }
0x1e4: {  	v7 =	vld [tilespmem:s22+$0x1B280]  }
0x1e5: {  	v4 =	vld.idx.msk [tilespmem:v4+s3+$0x0], $0xffff  }
0x1e6: {  	v10 =	vld [tilespmem:s22+$0x1AA00]  }
0x1e7: {  	v9 =	vld [tilespmem:s22+$0x1B180]  }
0x1e8: {  	v6 =	vld.idx.msk [tilespmem:v6+s3+$0x0], $0xffff  }
0x1e9: {  	v12 =	vld [tilespmem:s22+$0x1A900]  }
0x1ea: {  	v11 =	vld [tilespmem:s22+$0x1B080]  }
0x1eb: {  	v8 =	vld.idx.msk [tilespmem:v8+s3+$0x0], $0xffff  }
0x1ec: {  	v14 =	vld [tilespmem:s22+$0x1A800]  }
0x1ed: {  	v13 =	vld [tilespmem:s22+$0x1AB80]  }
0x1ee: {  	v10 =	vld.idx.msk [tilespmem:v10+s3+$0x0], $0xffff  }
0x1ef: {  	v16 =	vld [tilespmem:s22+$0x1A300]  }
0x1f0: {  	v15 =	vld [tilespmem:s22+$0x1AA80]  }
0x1f1: {  	v12 =	vld.idx.msk [tilespmem:v12+s3+$0x0], $0xffff  }
0x1f2: {  	v18 =	vld [tilespmem:s22+$0x1A200]  }
0x1f3: {  	v17 =	vld [tilespmem:s22+$0x1A980]  }
0x1f4: {  	v14 =	vld.idx.msk [tilespmem:v14+s3+$0x0], $0xffff  }
0x1f5: {  	v20 =	vld [tilespmem:s22+$0x1A100]  }
0x1f6: {  	v19 =	vld [tilespmem:s22+$0x1A880]  }
0x1f7: {  	v16 =	vld.idx.msk [tilespmem:v16+s3+$0x0], $0xffff  }
0x1f8: {  	v22 =	vld [tilespmem:s22+$0x1A000]  }
0x1f9: {  	v21 =	vld [tilespmem:s22+$0x1A380]  }
0x1fa: {  	v18 =	vld.idx.msk [tilespmem:v18+s3+$0x0], $0xffff  }
0x1fb: {  	v24 =	vld [tilespmem:s22+$0x19B00]  }
0x1fc: {  	v23 =	vld [tilespmem:s22+$0x1A280]  }
0x1fd: {  	v20 =	vld.idx.msk [tilespmem:v20+s3+$0x0], $0xffff  }
0x1fe: {  	v26 =	vld [tilespmem:s22+$0x19A00]  }
0x1ff: {  	v25 =	vld [tilespmem:s22+$0x1A180]  }
0x200: {  	v22 =	vld.idx.msk [tilespmem:v22+s3+$0x0], $0xffff  }
0x201: {  	v28 =	vld [tilespmem:s22+$0x19900]  }
0x202: {  	v27 =	vld [tilespmem:s22+$0x1A080]  }
0x203: {  	v24 =	vld.idx.msk [tilespmem:v24+s3+$0x0], $0xffff  }
0x204: {  	v29 =	vld [tilespmem:s22+$0x19B80]  }
0x205: {  	v30 =	vld [tilespmem:s22+$0x19800]  }
0x206: {  	v26 =	vld.idx.msk [tilespmem:v26+s3+$0x0], $0xffff  }
0x207: {  	v31 =	vld [tilespmem:s22+$0x19A80]  }
0x208: {  	v32 =	vld [tilespmem:s22+$0x19300]  }
0x209: {  	v28 =	vld.idx.msk [tilespmem:v28+s3+$0x0], $0xffff  }
0x20a: {  	v34 =	vld [tilespmem:s22+$0x19200]  }
0x20b: {  	v33 =	vld [tilespmem:s22+$0x19980]  }
0x20c: {  	v35 =	vld [tilespmem:s22+$0x19100]  }
0x20d: {  	v30 =	vld.idx.msk [tilespmem:v30+s3+$0x0], $0xffff  }
0x20e: {  	v37 =	vld [tilespmem:s22+$0x19000]  }
0x20f: {  	v36 =	vld [tilespmem:s22+$0x19880]  }
0x210: {  	v32 =	vld.idx.msk [tilespmem:v32+s3+$0x0], $0xffff  }
0x211: {  	v38 =	vld [tilespmem:s22+$0x19380]  }
0x212: {  	v34 =	vld.idx.msk [tilespmem:v34+s3+$0x0], $0xffff  }
0x213: {  	v39 =	vld [tilespmem:s22+$0x19280]  }
0x214: {  	v35 =	vld.idx.msk [tilespmem:v35+s3+$0x0], $0xffff  }
0x215: {  	v40 =	vld [tilespmem:s22+$0x19180]  }
0x216: {  	v37 =	vld.idx.msk [tilespmem:v37+s3+$0x0], $0xffff  }
0x217: {  	v41 =	vld [tilespmem:s22+$0x19080]  }
.Ltmp1:
0x218: {  	v42 =	vld [tilespmem:s22+$0x18900];
	(pc) =	sbr.rel @p0 .LBB2_4-.Ltmp1, $4  }
0x219: {  	v43 =	vld [tilespmem:s22+$0x18B00]  }
0x21a: {  	v44 =	vld [tilespmem:s22+$0x18980]  }
0x21b: {  	v45 =	vld [tilespmem:s22+$0x18800]  }
0x21c: {  	s21 =	sadd.s32 $0x10, s21;
	v46 =	vld [tilespmem:s22+$0x18A00]  }
0x21d: {  	_ =	sdelay $0x1  }
0x21e: {  	v47 =	vld [tilespmem:s22+$0x18880]  }
0x21f: {  	s20 =	sor.u32 s20, s19;
	v48 =	vld [tilespmem:s22+$0x18A80]  }
0x220: {  	v42 =	vld.idx.msk [tilespmem:v42+s3+$0x0], $0xffff;
	s20 =	sor.u32 $0x380, s20  }
0x221: {  	v49 =	vld [tilespmem:s20+$0x18800]  }
0x222: {  	v41 =	vld.idx.msk [tilespmem:v41+s3+$0x0], $0xffff  }
0x223: {  	v43 =	vld.idx.msk [tilespmem:v43+s3+$0x0], $0xffff  }
0x224: {  	v45 =	vld.idx.msk [tilespmem:v45+s3+$0x0], $0xffff  }
0x225: {  	v46 =	vld.idx.msk [tilespmem:v46+s3+$0x0], $0xffff  }
0x226: {  	v47 =	vld.idx.msk [tilespmem:v47+s3+$0x0], $0xffff  }
0x227: {  	v48 =	vld.idx.msk [tilespmem:v48+s3+$0x0], $0xffff  }
0x228: {  	v44 =	vld.idx.msk [tilespmem:v44+s3+$0x0], $0xffff  }
0x229: {  	v49 =	vld.idx.msk [tilespmem:v49+s3+$0x0], $0xffff  }
0x22a: {  	v40 =	vld.idx.msk [tilespmem:v40+s3+$0x0], $0xffff  }
0x22b: {  	v39 =	vld.idx.msk [tilespmem:v39+s3+$0x0], $0xffff;
	v45 =	vadd.f32 v46, v45  }
0x22c: {  	v38 =	vld.idx.msk [tilespmem:v38+s3+$0x0], $0xffff;
	v62 =	vadd.f32 v48, v47  }
0x22d: {  	v36 =	vld.idx.msk [tilespmem:v36+s3+$0x0], $0xffff;
	v42 =	vadd.f32 v43, v42;
	v37 =	vadd.f32 v37, v45  }
0x22e: {  	v33 =	vld.idx.msk [tilespmem:v33+s3+$0x0], $0xffff;
	v63 =	vadd.f32 v49, v44;
	v41 =	vadd.f32 v41, v62  }
0x22f: {  	v31 =	vld.idx.msk [tilespmem:v31+s3+$0x0], $0xffff;
	v35 =	vadd.f32 v35, v42;
	v34 =	vadd.f32 v34, v37  }
0x230: {  	v29 =	vld.idx.msk [tilespmem:v29+s3+$0x0], $0xffff;
	v40 =	vadd.f32 v40, v63;
	v45 =	vadd.f32 v39, v41  }
0x231: {  	v27 =	vld.idx.msk [tilespmem:v27+s3+$0x0], $0xffff;
	v32 =	vadd.f32 v32, v35;
	v30 =	vadd.f32 v30, v34  }
0x232: {  	v25 =	vld.idx.msk [tilespmem:v25+s3+$0x0], $0xffff;
	v46 =	vadd.f32 v38, v40;
	v47 =	vadd.f32 v36, v45  }
0x233: {  	v23 =	vld.idx.msk [tilespmem:v23+s3+$0x0], $0xffff;
	v28 =	vadd.f32 v28, v32;
	v26 =	vadd.f32 v26, v30  }
0x234: {  	v21 =	vld.idx.msk [tilespmem:v21+s3+$0x0], $0xffff;
	v48 =	vadd.f32 v33, v46;
	v49 =	vadd.f32 v31, v47  }
0x235: {  	v19 =	vld.idx.msk [tilespmem:v19+s3+$0x0], $0xffff;
	v24 =	vadd.f32 v24, v28;
	v22 =	vadd.f32 v22, v26  }
0x236: {  	v17 =	vld.idx.msk [tilespmem:v17+s3+$0x0], $0xffff;
	v50 =	vadd.f32 v29, v48;
	v51 =	vadd.f32 v27, v49  }
0x237: {  	v15 =	vld.idx.msk [tilespmem:v15+s3+$0x0], $0xffff;
	v20 =	vadd.f32 v20, v24;
	v18 =	vadd.f32 v18, v22  }
0x238: {  	v13 =	vld.idx.msk [tilespmem:v13+s3+$0x0], $0xffff;
	v52 =	vadd.f32 v25, v50;
	v53 =	vadd.f32 v23, v51  }
0x239: {  	v11 =	vld.idx.msk [tilespmem:v11+s3+$0x0], $0xffff;
	v16 =	vadd.f32 v16, v20;
	v14 =	vadd.f32 v14, v18  }
0x23a: {  	v9 =	vld.idx.msk [tilespmem:v9+s3+$0x0], $0xffff;
	v54 =	vadd.f32 v21, v52;
	v55 =	vadd.f32 v19, v53  }
0x23b: {  	v7 =	vld.idx.msk [tilespmem:v7+s3+$0x0], $0xffff;
	v12 =	vadd.f32 v12, v16;
	v10 =	vadd.f32 v10, v14  }
0x23c: {  	v5 =	vld.idx.msk [tilespmem:v5+s3+$0x0], $0xffff;
	v56 =	vadd.f32 v17, v54;
	v57 =	vadd.f32 v15, v55  }
0x23d: {  	v3 =	vld.idx.msk [tilespmem:v3+s3+$0x0], $0xffff;
	v8 =	vadd.f32 v8, v12;
	v6 =	vadd.f32 v6, v10  }
0x23e: {  	v58 =	vadd.f32 v13, v56;
	v59 =	vadd.f32 v11, v57  }
0x23f: {  	v4 =	vadd.f32 v4, v8;
	v2 =	vadd.f32 v2, v6  }
0x240: {  	v60 =	vadd.f32 v9, v58;
	v61 =	vadd.f32 v7, v59  }
0x241: {  	v1 =	vadd.f32 v1, v4;
	v0 =	vadd.f32 v0, v2  }
0x242: {  	v62 =	vadd.f32 v5, v60;
	v63 =	vadd.f32 v3, v61;
	_ =	sdelay $0x1  }
0x243: {  	v0 =	vadd.f32 v63, v0;
	v1 =	vadd.f32 v62, v1;
	_ =	sdelay $0x1  }
0x244: {  	s18 =	sadd.s32 $0x1, s18;
	v0 =	vadd.f32 v0, v1  }
0x245: {  	s31 =	sand.u32 $0xF0, s19;
	p0 =	sne.s32 s18, s9  }
.Ltmp2:
0x246: {  	[tilespmem:s31+$0x1C100] =	vst v0;
	(pc) =	sbr.rel @p0 .LBB2_1-.Ltmp2, $4  }
0x247: {  	[hbm4b:s8+s3] =	stream.linear.scatter [tilespmem:s17], [sflag:$0x3], $0x200, $0x38;
	[tilespmem:$0x1DA80] =	vst v63  }
0x248: {  	_ =	swait.ge [sflag:s15], $0x200  }
0x249: {  	[sflag:s15] =	ssyncset.done $0x0  }
0x24a: {  	[sflag:s15] =	ssyncadd.s32 $0xFFFFFE00  }
0x24b: {  	_ =	sfence.sel $0x180000  }
0x24c: {  	[bflag:$0x0] =	sbarrier.arrive $0xFFFF  }
0x24d: {  	p0 =	sne.s32 s1, $0x0;
	_ =	strace $0x90000047  }
0x24e: {  	s0 =	sadd.s32 @!p0 $0x100000, s0;
	[bflag:$0x2] =	sbarrier.arrive $0xFFFF  }
0x24f: {  	[sflag:s0] =	ssyncadd.tile.s32 @!p0 $0x1;
	_ =	shalt  }
.Lfunc_end2:
_tile_overlayer_lowered:
.L_overlay_start_2:
0x250: {  	(tag) =	ssettag $0x2  }
0x251: {  	s0 =	rddreg [dreg:$0x0];
	s2 =	stileid.u32  }
0x252: {  	s1 =	rddreg [dreg:$0x1];
	p0 =	sne.s32 s2, $0x0  }
0x253: {  	s3 =	rddreg [dreg:$0x2];
	[bflag:$0x3] =	sbarrier.arrive $0xFFFF;
	s2 =	simm.s32 @!p0 $0x1C03  }
0x254: {  	[timem:s3], [sflag:s2] =	dma.local @!p0 [hbm:s0], s1  }
0x255: {  	s0 =	simm.s32 @!p0 $0x3  }
0x256: {  	_ =	swait.ge @!p0 [sflag:s0], s1  }
0x257: {  	s1 =	ssub.s32 @!p0 $0x0, s1;
	[sflag:s0] =	ssyncset.done @!p0 $0x0  }
0x258: {  	[sflag:s0] =	ssyncadd.s32 @!p0 s1  }
0x259: {  	[bflag:$0x3] =	sbarrier.arrive $0xFFFF  }
0x25a: {  	_ =	shalt  }

</sc_bundles>
